<compile_context>
chip_gen: v7x
topology: tpu7x:2x2x1
jax: 0.10.2.dev20260603
libtpu: 0.0.44.dev20260713+nightly
codegen_flags: <defaults>
</compile_context>

<pallas_src>
import jax
import jax.numpy as jnp
from jax import lax
from jax.experimental import pallas as pl
from jax.experimental.pallas import tpu as pltpu
from jax.experimental.pallas import tpu_sc as plsc

PE = 8192
B = 4096
L = 16
NC, NS = 2, 16
NW = NC * NS
RW = B // NW
G = PE // L
GW = RW * G
EW = RW * PE
ZWORDS = 16384
NFIRE = EW // ZWORDS


def _body(pos_hbm, out_hbm, posv, zbuf, srcbuf, qbuf, semz, sems):
    wid = lax.axis_index("s") * NC + lax.axis_index("c")
    ebase = wid * RW * PE

    pltpu.sync_copy(pos_hbm.at[pl.ds(wid * RW, RW)], posv)

    zero16 = jnp.zeros((L,), jnp.float32)

    def zloop(i, carry):
        for j in range(8):
            zbuf[pl.ds((i * 8 + j) * L, L)] = zero16
        return carry

    lax.fori_loop(0, ZWORDS // (8 * L), zloop, 0)

    copies = []
    for j in range(NFIRE):
        copies.append(
            pltpu.async_copy(
                zbuf, out_hbm.at[pl.ds(ebase + j * ZWORDS, ZWORDS)], semz
            )
        )

    iota = lax.iota(jnp.int32, L)
    one16 = jnp.ones((L,), jnp.float32)
    for g in range(RW // L):
        pos16 = posv[pl.ds(g * L, L)]
        pos16 = jnp.minimum(jnp.maximum(pos16, 0), PE - 1)
        qbuf[pl.ds(g * L, L)] = (wid * RW + g * L + iota) * PE + pos16
        srcbuf[pl.ds(g * L, L)] = one16

    for c in copies:
        c.wait()
    pltpu.async_copy(srcbuf, out_hbm.at[qbuf], sems).wait()


@jax.jit
def _one_hot(position):
    mesh = plsc.VectorSubcoreMesh(core_axis_name="c", subcore_axis_name="s")
    out = pl.kernel(
        _body,
        out_type=jax.ShapeDtypeStruct((B * PE,), jnp.float32),
        mesh=mesh,
        scratch_types=[
            pltpu.VMEM((RW,), jnp.int32),
            pltpu.VMEM((ZWORDS,), jnp.float32),
            pltpu.VMEM((RW,), jnp.float32),
            pltpu.VMEM((RW,), jnp.int32),
            pltpu.SemaphoreType.DMA,
            pltpu.SemaphoreType.DMA,
        ],
    )(position)
    return out.reshape(B, PE)


def kernel(position):
    if position.ndim > 1 and position.shape[-1] == 1:
        position = jnp.squeeze(position, axis=-1)
    return _one_hot(position.astype(jnp.int32))

# --- scband reference (transcript-rebuilt; emitter-appended) ---
"""Pipeline reference for scband-one-hot-pe-9912784519711 (READ-ONLY COPY).

The authoritative reference and input builder live on the scoring server;
editing this copy changes nothing except your own understanding.
"""

import jax, jax.numpy as jnp
import numpy as np

PE_SIZE = 8192
BATCH = 4096

def setup_inputs(seed: int = 0) -> dict:
    key = jax.random.key(seed)
    position = jax.random.randint(key, (BATCH,), 0, PE_SIZE)
    return {"position": position}

def reference(position):
    # Faithful translation of OneHotPE.forward
    if PE_SIZE == 0:
        return jnp.zeros((position.shape[0], 0), dtype=jnp.float32)
    if position.ndim > 1 and position.shape[-1] == 1:
        position_squeezed = jnp.squeeze(position, axis=-1).astype(jnp.int32)
    else:
        position_squeezed = position.astype(jnp.int32)
    clamped_position = jnp.clip(position_squeezed, 0, PE_SIZE - 1)
    return jax.nn.one_hot(clamped_position, PE_SIZE, dtype=jnp.float32)

if __name__ == "__main__":
    import jax
    _d = setup_inputs()
    print(jax.jit(kernel)(*tuple(_d.values())))

</pallas_src>

<mosaic_0001>
#map = affine_map<(d0, d1) -> (0)>
module attributes {stable_mosaic.version = 14 : i64} {
  func.func @_body(%arg0: i32, %arg1: i32, %arg2: memref<4096xi32, #tpu.memory_space<hbm>>, %arg3: memref<33554432xf32, #tpu.memory_space<hbm>>, %arg4: memref<128xi32, #tpu.memory_space<vmem>>, %arg5: memref<16384xf32, #tpu.memory_space<vmem>>, %arg6: memref<128xf32, #tpu.memory_space<vmem>>, %arg7: memref<128xi32, #tpu.memory_space<vmem>>, %arg8: memref<!tpu.dma_semaphore, #tpu.memory_space<semaphore_mem>>, %arg9: memref<!tpu.dma_semaphore, #tpu.memory_space<semaphore_mem>>) attributes {dimension_semantics = [#tpu.dimension_semantics<core_parallel>, #tpu.dimension_semantics<subcore_parallel>], iteration_bounds = array<i64: 2, 16>, scalar_prefetch = 0 : i64, scratch_operands = 6 : i64, tpu.core_type = #tpu.core_type<sc_vector_subcore>, window_params = [{transform_indices = #map}, {transform_indices = #map}]} {
    %mul3A = arith.constant 2 : i32
    %mul3A_0 = arith.muli %arg1, %mul3A : i32
    %add3A = arith.addi %mul3A_0, %arg0 : i32
    %mul3A_1 = arith.constant 128 : i32
    %mul3A_2 = arith.muli %add3A, %mul3A_1 : i32
    %mul3A_3 = arith.constant 8192 : i32
    %mul3A_4 = arith.muli %mul3A_2, %mul3A_3 : i32
    %mul3A_5 = arith.constant 128 : i32
    %mul3A_6 = arith.muli %add3A, %mul3A_5 : i32
    "tpu.region"() ({
      %run_scoped3A = tpu.sem_alloc : memref<!tpu.dma_semaphore, #tpu.memory_space<semaphore_mem>>
      %dma_start3A_613 = tpu.memref_slice %arg2[%mul3A_6] : memref<4096xi32, #tpu.memory_space<hbm>> -> memref<128xi32, #tpu.memory_space<hbm>>
      %dma_start3A_614 = tpu.memref_slice %arg2[%mul3A_6] : memref<4096xi32, #tpu.memory_space<hbm>> -> memref<128xi32, #tpu.memory_space<hbm>>
      tpu.enqueue_dma source(%dma_start3A_614 : memref<128xi32, #tpu.memory_space<hbm>>) target(%arg4 : memref<128xi32, #tpu.memory_space<vmem>>) target_semaphore(%run_scoped3A : memref<!tpu.dma_semaphore, #tpu.memory_space<semaphore_mem>>)
      %dma_wait3A_615 = tpu.memref_slice %arg2[%mul3A_6] : memref<4096xi32, #tpu.memory_space<hbm>> -> memref<128xi32, #tpu.memory_space<hbm>>
      %dma_wait3A_616 = tpu.memref_slice %arg2[%mul3A_6] : memref<4096xi32, #tpu.memory_space<hbm>> -> memref<128xi32, #tpu.memory_space<hbm>>
      tpu.wait_dma2 semaphore(%run_scoped3A : memref<!tpu.dma_semaphore, #tpu.memory_space<semaphore_mem>>) src(%dma_wait3A_616 : memref<128xi32, #tpu.memory_space<hbm>>) dst(%arg4 : memref<128xi32, #tpu.memory_space<vmem>>)
      tpu.yield
    }) : () -> ()
    %broadcast_in_dim3A = arith.constant 0.000000e+00 : f32
    %broadcast_in_dim3A_7 = vector.broadcast %broadcast_in_dim3A : f32 to vector<16xf32>
    %scan3A = arith.constant 0 : i32
    %scan3A_8 = arith.constant 0 : i32
    %scan3A_9 = arith.constant 128 : i32
    %scan3A_10 = arith.addi %scan3A_8, %scan3A_9 : i32
    %scan3A_11 = arith.constant 1 : i32
    scf.for %scan3A_613 = %scan3A_8 to %scan3A_10 step %scan3A_11  : i32 {
      %mul3A_614 = arith.constant 8 : i32
      %mul3A_615 = arith.muli %scan3A_613, %mul3A_614 : i32
      %add3A_616 = arith.constant 0 : i32
      %add3A_617 = arith.addi %mul3A_615, %add3A_616 : i32
      %mul3A_618 = arith.constant 16 : i32
      %mul3A_619 = arith.muli %add3A_617, %mul3A_618 : i32
      %swap3A_620 = arith.index_cast %mul3A_619 : i32 to index
      %swap3A_621 = tpu.vector_load %arg5[%swap3A_620] {strides = array<i32>} : memref<16384xf32, #tpu.memory_space<vmem>>, vector<16xf32>,
      %swap3A_622 = vector.shape_cast %swap3A_621 : vector<16xf32> to vector<16xf32>
      %swap3A_623 = vector.shape_cast %broadcast_in_dim3A_7 : vector<16xf32> to vector<16xf32>
      tpu.vector_store %arg5[%swap3A_620], %swap3A_623 {strides = array<i32>} : memref<16384xf32, #tpu.memory_space<vmem>>, vector<16xf32>,
      %mul3A_624 = arith.constant 8 : i32
      %mul3A_625 = arith.muli %scan3A_613, %mul3A_624 : i32
      %add3A_626 = arith.constant 1 : i32
      %add3A_627 = arith.addi %mul3A_625, %add3A_626 : i32
      %mul3A_628 = arith.constant 16 : i32
      %mul3A_629 = arith.muli %add3A_627, %mul3A_628 : i32
      %swap3A_630 = arith.index_cast %mul3A_629 : i32 to index
      %swap3A_631 = tpu.vector_load %arg5[%swap3A_630] {strides = array<i32>} : memref<16384xf32, #tpu.memory_space<vmem>>, vector<16xf32>,
      %swap3A_632 = vector.shape_cast %swap3A_631 : vector<16xf32> to vector<16xf32>
      %swap3A_633 = vector.shape_cast %broadcast_in_dim3A_7 : vector<16xf32> to vector<16xf32>
      tpu.vector_store %arg5[%swap3A_630], %swap3A_633 {strides = array<i32>} : memref<16384xf32, #tpu.memory_space<vmem>>, vector<16xf32>,
      %mul3A_634 = arith.constant 8 : i32
      %mul3A_635 = arith.muli %scan3A_613, %mul3A_634 : i32
      %add3A_636 = arith.constant 2 : i32
      %add3A_637 = arith.addi %mul3A_635, %add3A_636 : i32
      %mul3A_638 = arith.constant 16 : i32
      %mul3A_639 = arith.muli %add3A_637, %mul3A_638 : i32
      %swap3A_640 = arith.index_cast %mul3A_639 : i32 to index
      %swap3A_641 = tpu.vector_load %arg5[%swap3A_640] {strides = array<i32>} : memref<16384xf32, #tpu.memory_space<vmem>>, vector<16xf32>,
      %swap3A_642 = vector.shape_cast %swap3A_641 : vector<16xf32> to vector<16xf32>
      %swap3A_643 = vector.shape_cast %broadcast_in_dim3A_7 : vector<16xf32> to vector<16xf32>
      tpu.vector_store %arg5[%swap3A_640], %swap3A_643 {strides = array<i32>} : memref<16384xf32, #tpu.memory_space<vmem>>, vector<16xf32>,
      %mul3A_644 = arith.constant 8 : i32
      %mul3A_645 = arith.muli %scan3A_613, %mul3A_644 : i32
      %add3A_646 = arith.constant 3 : i32
      %add3A_647 = arith.addi %mul3A_645, %add3A_646 : i32
      %mul3A_648 = arith.constant 16 : i32
      %mul3A_649 = arith.muli %add3A_647, %mul3A_648 : i32
      %swap3A_650 = arith.index_cast %mul3A_649 : i32 to index
      %swap3A_651 = tpu.vector_load %arg5[%swap3A_650] {strides = array<i32>} : memref<16384xf32, #tpu.memory_space<vmem>>, vector<16xf32>,
      %swap3A_652 = vector.shape_cast %swap3A_651 : vector<16xf32> to vector<16xf32>
      %swap3A_653 = vector.shape_cast %broadcast_in_dim3A_7 : vector<16xf32> to vector<16xf32>
      tpu.vector_store %arg5[%swap3A_650], %swap3A_653 {strides = array<i32>} : memref<16384xf32, #tpu.memory_space<vmem>>, vector<16xf32>,
      %mul3A_654 = arith.constant 8 : i32
      %mul3A_655 = arith.muli %scan3A_613, %mul3A_654 : i32
      %add3A_656 = arith.constant 4 : i32
      %add3A_657 = arith.addi %mul3A_655, %add3A_656 : i32
      %mul3A_658 = arith.constant 16 : i32
      %mul3A_659 = arith.muli %add3A_657, %mul3A_658 : i32
      %swap3A_660 = arith.index_cast %mul3A_659 : i32 to index
      %swap3A_661 = tpu.vector_load %arg5[%swap3A_660] {strides = array<i32>} : memref<16384xf32, #tpu.memory_space<vmem>>, vector<16xf32>,
      %swap3A_662 = vector.shape_cast %swap3A_661 : vector<16xf32> to vector<16xf32>
      %swap3A_663 = vector.shape_cast %broadcast_in_dim3A_7 : vector<16xf32> to vector<16xf32>
      tpu.vector_store %arg5[%swap3A_660], %swap3A_663 {strides = array<i32>} : memref<16384xf32, #tpu.memory_space<vmem>>, vector<16xf32>,
      %mul3A_664 = arith.constant 8 : i32
      %mul3A_665 = arith.muli %scan3A_613, %mul3A_664 : i32
      %add3A_666 = arith.constant 5 : i32
      %add3A_667 = arith.addi %mul3A_665, %add3A_666 : i32
      %mul3A_668 = arith.constant 16 : i32
      %mul3A_669 = arith.muli %add3A_667, %mul3A_668 : i32
      %swap3A_670 = arith.index_cast %mul3A_669 : i32 to index
      %swap3A_671 = tpu.vector_load %arg5[%swap3A_670] {strides = array<i32>} : memref<16384xf32, #tpu.memory_space<vmem>>, vector<16xf32>,
      %swap3A_672 = vector.shape_cast %swap3A_671 : vector<16xf32> to vector<16xf32>
      %swap3A_673 = vector.shape_cast %broadcast_in_dim3A_7 : vector<16xf32> to vector<16xf32>
      tpu.vector_store %arg5[%swap3A_670], %swap3A_673 {strides = array<i32>} : memref<16384xf32, #tpu.memory_space<vmem>>, vector<16xf32>,
      %mul3A_674 = arith.constant 8 : i32
      %mul3A_675 = arith.muli %scan3A_613, %mul3A_674 : i32
      %add3A_676 = arith.constant 6 : i32
      %add3A_677 = arith.addi %mul3A_675, %add3A_676 : i32
      %mul3A_678 = arith.constant 16 : i32
      %mul3A_679 = arith.muli %add3A_677, %mul3A_678 : i32
      %swap3A_680 = arith.index_cast %mul3A_679 : i32 to index
      %swap3A_681 = tpu.vector_load %arg5[%swap3A_680] {strides = array<i32>} : memref<16384xf32, #tpu.memory_space<vmem>>, vector<16xf32>,
      %swap3A_682 = vector.shape_cast %swap3A_681 : vector<16xf32> to vector<16xf32>
      %swap3A_683 = vector.shape_cast %broadcast_in_dim3A_7 : vector<16xf32> to vector<16xf32>
      tpu.vector_store %arg5[%swap3A_680], %swap3A_683 {strides = array<i32>} : memref<16384xf32, #tpu.memory_space<vmem>>, vector<16xf32>,
      %mul3A_684 = arith.constant 8 : i32
      %mul3A_685 = arith.muli %scan3A_613, %mul3A_684 : i32
      %add3A_686 = arith.constant 7 : i32
      %add3A_687 = arith.addi %mul3A_685, %add3A_686 : i32
      %mul3A_688 = arith.constant 16 : i32
      %mul3A_689 = arith.muli %add3A_687, %mul3A_688 : i32
      %swap3A_690 = arith.index_cast %mul3A_689 : i32 to index
      %swap3A_691 = tpu.vector_load %arg5[%swap3A_690] {strides = array<i32>} : memref<16384xf32, #tpu.memory_space<vmem>>, vector<16xf32>,
      %swap3A_692 = vector.shape_cast %swap3A_691 : vector<16xf32> to vector<16xf32>
      %swap3A_693 = vector.shape_cast %broadcast_in_dim3A_7 : vector<16xf32> to vector<16xf32>
      tpu.vector_store %arg5[%swap3A_690], %swap3A_693 {strides = array<i32>} : memref<16384xf32, #tpu.memory_space<vmem>>, vector<16xf32>,
    }
    %scan3A_12 = arith.constant 128 : i32
    %add3A_13 = arith.constant 0 : i32
    %add3A_14 = arith.addi %mul3A_4, %add3A_13 : i32
    %dma_start3A = tpu.memref_slice %arg3[%add3A_14] : memref<33554432xf32, #tpu.memory_space<hbm>> -> memref<16384xf32, #tpu.memory_space<hbm>>
    %dma_start3A_15 = tpu.memref_slice %arg3[%add3A_14] : memref<33554432xf32, #tpu.memory_space<hbm>> -> memref<16384xf32, #tpu.memory_space<hbm>>
    tpu.enqueue_dma source(%arg5 : memref<16384xf32, #tpu.memory_space<vmem>>) target(%dma_start3A_15 : memref<16384xf32, #tpu.memory_space<hbm>>) target_semaphore(%arg8 : memref<!tpu.dma_semaphore, #tpu.memory_space<semaphore_mem>>)
    %add3A_16 = arith.constant 16384 : i32
    %add3A_17 = arith.addi %mul3A_4, %add3A_16 : i32
    %dma_start3A_18 = tpu.memref_slice %arg3[%add3A_17] : memref<33554432xf32, #tpu.memory_space<hbm>> -> memref<16384xf32, #tpu.memory_space<hbm>>
    %dma_start3A_19 = tpu.memref_slice %arg3[%add3A_17] : memref<33554432xf32, #tpu.memory_space<hbm>> -> memref<16384xf32, #tpu.memory_space<hbm>>
    tpu.enqueue_dma source(%arg5 : memref<16384xf32, #tpu.memory_space<vmem>>) target(%dma_start3A_19 : memref<16384xf32, #tpu.memory_space<hbm>>) target_semaphore(%arg8 : memref<!tpu.dma_semaphore, #tpu.memory_space<semaphore_mem>>)
    %add3A_20 = arith.constant 32768 : i32
    %add3A_21 = arith.addi %mul3A_4, %add3A_20 : i32
    %dma_start3A_22 = tpu.memref_slice %arg3[%add3A_21] : memref<33554432xf32, #tpu.memory_space<hbm>> -> memref<16384xf32, #tpu.memory_space<hbm>>
    %dma_start3A_23 = tpu.memref_slice %arg3[%add3A_21] : memref<33554432xf32, #tpu.memory_space<hbm>> -> memref<16384xf32, #tpu.memory_space<hbm>>
    tpu.enqueue_dma source(%arg5 : memref<16384xf32, #tpu.memory_space<vmem>>) target(%dma_start3A_23 : memref<16384xf32, #tpu.memory_space<hbm>>) target_semaphore(%arg8 : memref<!tpu.dma_semaphore, #tpu.memory_space<semaphore_mem>>)
    %add3A_24 = arith.constant 49152 : i32
    %add3A_25 = arith.addi %mul3A_4, %add3A_24 : i32
    %dma_start3A_26 = tpu.memref_slice %arg3[%add3A_25] : memref<33554432xf32, #tpu.memory_space<hbm>> -> memref<16384xf32, #tpu.memory_space<hbm>>
    %dma_start3A_27 = tpu.memref_slice %arg3[%add3A_25] : memref<33554432xf32, #tpu.memory_space<hbm>> -> memref<16384xf32, #tpu.memory_space<hbm>>
    tpu.enqueue_dma source(%arg5 : memref<16384xf32, #tpu.memory_space<vmem>>) target(%dma_start3A_27 : memref<16384xf32, #tpu.memory_space<hbm>>) target_semaphore(%arg8 : memref<!tpu.dma_semaphore, #tpu.memory_space<semaphore_mem>>)
    %add3A_28 = arith.constant 65536 : i32
    %add3A_29 = arith.addi %mul3A_4, %add3A_28 : i32
    %dma_start3A_30 = tpu.memref_slice %arg3[%add3A_29] : memref<33554432xf32, #tpu.memory_space<hbm>> -> memref<16384xf32, #tpu.memory_space<hbm>>
    %dma_start3A_31 = tpu.memref_slice %arg3[%add3A_29] : memref<33554432xf32, #tpu.memory_space<hbm>> -> memref<16384xf32, #tpu.memory_space<hbm>>
    tpu.enqueue_dma source(%arg5 : memref<16384xf32, #tpu.memory_space<vmem>>) target(%dma_start3A_31 : memref<16384xf32, #tpu.memory_space<hbm>>) target_semaphore(%arg8 : memref<!tpu.dma_semaphore, #tpu.memory_space<semaphore_mem>>)
    %add3A_32 = arith.constant 81920 : i32
    %add3A_33 = arith.addi %mul3A_4, %add3A_32 : i32
    %dma_start3A_34 = tpu.memref_slice %arg3[%add3A_33] : memref<33554432xf32, #tpu.memory_space<hbm>> -> memref<16384xf32, #tpu.memory_space<hbm>>
    %dma_start3A_35 = tpu.memref_slice %arg3[%add3A_33] : memref<33554432xf32, #tpu.memory_space<hbm>> -> memref<16384xf32, #tpu.memory_space<hbm>>
    tpu.enqueue_dma source(%arg5 : memref<16384xf32, #tpu.memory_space<vmem>>) target(%dma_start3A_35 : memref<16384xf32, #tpu.memory_space<hbm>>) target_semaphore(%arg8 : memref<!tpu.dma_semaphore, #tpu.memory_space<semaphore_mem>>)
    %add3A_36 = arith.constant 98304 : i32
    %add3A_37 = arith.addi %mul3A_4, %add3A_36 : i32
    %dma_start3A_38 = tpu.memref_slice %arg3[%add3A_37] : memref<33554432xf32, #tpu.memory_space<hbm>> -> memref<16384xf32, #tpu.memory_space<hbm>>
    %dma_start3A_39 = tpu.memref_slice %arg3[%add3A_37] : memref<33554432xf32, #tpu.memory_space<hbm>> -> memref<16384xf32, #tpu.memory_space<hbm>>
    tpu.enqueue_dma source(%arg5 : memref<16384xf32, #tpu.memory_space<vmem>>) target(%dma_start3A_39 : memref<16384xf32, #tpu.memory_space<hbm>>) target_semaphore(%arg8 : memref<!tpu.dma_semaphore, #tpu.memory_space<semaphore_mem>>)
    %add3A_40 = arith.constant 114688 : i32
    %add3A_41 = arith.addi %mul3A_4, %add3A_40 : i32
    %dma_start3A_42 = tpu.memref_slice %arg3[%add3A_41] : memref<33554432xf32, #tpu.memory_space<hbm>> -> memref<16384xf32, #tpu.memory_space<hbm>>
    %dma_start3A_43 = tpu.memref_slice %arg3[%add3A_41] : memref<33554432xf32, #tpu.memory_space<hbm>> -> memref<16384xf32, #tpu.memory_space<hbm>>
    tpu.enqueue_dma source(%arg5 : memref<16384xf32, #tpu.memory_space<vmem>>) target(%dma_start3A_43 : memref<16384xf32, #tpu.memory_space<hbm>>) target_semaphore(%arg8 : memref<!tpu.dma_semaphore, #tpu.memory_space<semaphore_mem>>)
    %add3A_44 = arith.constant 131072 : i32
    %add3A_45 = arith.addi %mul3A_4, %add3A_44 : i32
    %dma_start3A_46 = tpu.memref_slice %arg3[%add3A_45] : memref<33554432xf32, #tpu.memory_space<hbm>> -> memref<16384xf32, #tpu.memory_space<hbm>>
    %dma_start3A_47 = tpu.memref_slice %arg3[%add3A_45] : memref<33554432xf32, #tpu.memory_space<hbm>> -> memref<16384xf32, #tpu.memory_space<hbm>>
    tpu.enqueue_dma source(%arg5 : memref<16384xf32, #tpu.memory_space<vmem>>) target(%dma_start3A_47 : memref<16384xf32, #tpu.memory_space<hbm>>) target_semaphore(%arg8 : memref<!tpu.dma_semaphore, #tpu.memory_space<semaphore_mem>>)
    %add3A_48 = arith.constant 147456 : i32
    %add3A_49 = arith.addi %mul3A_4, %add3A_48 : i32
    %dma_start3A_50 = tpu.memref_slice %arg3[%add3A_49] : memref<33554432xf32, #tpu.memory_space<hbm>> -> memref<16384xf32, #tpu.memory_space<hbm>>
    %dma_start3A_51 = tpu.memref_slice %arg3[%add3A_49] : memref<33554432xf32, #tpu.memory_space<hbm>> -> memref<16384xf32, #tpu.memory_space<hbm>>
    tpu.enqueue_dma source(%arg5 : memref<16384xf32, #tpu.memory_space<vmem>>) target(%dma_start3A_51 : memref<16384xf32, #tpu.memory_space<hbm>>) target_semaphore(%arg8 : memref<!tpu.dma_semaphore, #tpu.memory_space<semaphore_mem>>)
    %add3A_52 = arith.constant 163840 : i32
    %add3A_53 = arith.addi %mul3A_4, %add3A_52 : i32
    %dma_start3A_54 = tpu.memref_slice %arg3[%add3A_53] : memref<33554432xf32, #tpu.memory_space<hbm>> -> memref<16384xf32, #tpu.memory_space<hbm>>
    %dma_start3A_55 = tpu.memref_slice %arg3[%add3A_53] : memref<33554432xf32, #tpu.memory_space<hbm>> -> memref<16384xf32, #tpu.memory_space<hbm>>
    tpu.enqueue_dma source(%arg5 : memref<16384xf32, #tpu.memory_space<vmem>>) target(%dma_start3A_55 : memref<16384xf32, #tpu.memory_space<hbm>>) target_semaphore(%arg8 : memref<!tpu.dma_semaphore, #tpu.memory_space<semaphore_mem>>)
    %add3A_56 = arith.constant 180224 : i32
    %add3A_57 = arith.addi %mul3A_4, %add3A_56 : i32
    %dma_start3A_58 = tpu.memref_slice %arg3[%add3A_57] : memref<33554432xf32, #tpu.memory_space<hbm>> -> memref<16384xf32, #tpu.memory_space<hbm>>
    %dma_start3A_59 = tpu.memref_slice %arg3[%add3A_57] : memref<33554432xf32, #tpu.memory_space<hbm>> -> memref<16384xf32, #tpu.memory_space<hbm>>
    tpu.enqueue_dma source(%arg5 : memref<16384xf32, #tpu.memory_space<vmem>>) target(%dma_start3A_59 : memref<16384xf32, #tpu.memory_space<hbm>>) target_semaphore(%arg8 : memref<!tpu.dma_semaphore, #tpu.memory_space<semaphore_mem>>)
    %add3A_60 = arith.constant 196608 : i32
    %add3A_61 = arith.addi %mul3A_4, %add3A_60 : i32
    %dma_start3A_62 = tpu.memref_slice %arg3[%add3A_61] : memref<33554432xf32, #tpu.memory_space<hbm>> -> memref<16384xf32, #tpu.memory_space<hbm>>
    %dma_start3A_63 = tpu.memref_slice %arg3[%add3A_61] : memref<33554432xf32, #tpu.memory_space<hbm>> -> memref<16384xf32, #tpu.memory_space<hbm>>
    tpu.enqueue_dma source(%arg5 : memref<16384xf32, #tpu.memory_space<vmem>>) target(%dma_start3A_63 : memref<16384xf32, #tpu.memory_space<hbm>>) target_semaphore(%arg8 : memref<!tpu.dma_semaphore, #tpu.memory_space<semaphore_mem>>)
    %add3A_64 = arith.constant 212992 : i32
    %add3A_65 = arith.addi %mul3A_4, %add3A_64 : i32
    %dma_start3A_66 = tpu.memref_slice %arg3[%add3A_65] : memref<33554432xf32, #tpu.memory_space<hbm>> -> memref<16384xf32, #tpu.memory_space<hbm>>
    %dma_start3A_67 = tpu.memref_slice %arg3[%add3A_65] : memref<33554432xf32, #tpu.memory_space<hbm>> -> memref<16384xf32, #tpu.memory_space<hbm>>
    tpu.enqueue_dma source(%arg5 : memref<16384xf32, #tpu.memory_space<vmem>>) target(%dma_start3A_67 : memref<16384xf32, #tpu.memory_space<hbm>>) target_semaphore(%arg8 : memref<!tpu.dma_semaphore, #tpu.memory_space<semaphore_mem>>)
    %add3A_68 = arith.constant 229376 : i32
    %add3A_69 = arith.addi %mul3A_4, %add3A_68 : i32
    %dma_start3A_70 = tpu.memref_slice %arg3[%add3A_69] : memref<33554432xf32, #tpu.memory_space<hbm>> -> memref<16384xf32, #tpu.memory_space<hbm>>
    %dma_start3A_71 = tpu.memref_slice %arg3[%add3A_69] : memref<33554432xf32, #tpu.memory_space<hbm>> -> memref<16384xf32, #tpu.memory_space<hbm>>
    tpu.enqueue_dma source(%arg5 : memref<16384xf32, #tpu.memory_space<vmem>>) target(%dma_start3A_71 : memref<16384xf32, #tpu.memory_space<hbm>>) target_semaphore(%arg8 : memref<!tpu.dma_semaphore, #tpu.memory_space<semaphore_mem>>)
    %add3A_72 = arith.constant 245760 : i32
    %add3A_73 = arith.addi %mul3A_4, %add3A_72 : i32
    %dma_start3A_74 = tpu.memref_slice %arg3[%add3A_73] : memref<33554432xf32, #tpu.memory_space<hbm>> -> memref<16384xf32, #tpu.memory_space<hbm>>
    %dma_start3A_75 = tpu.memref_slice %arg3[%add3A_73] : memref<33554432xf32, #tpu.memory_space<hbm>> -> memref<16384xf32, #tpu.memory_space<hbm>>
    tpu.enqueue_dma source(%arg5 : memref<16384xf32, #tpu.memory_space<vmem>>) target(%dma_start3A_75 : memref<16384xf32, #tpu.memory_space<hbm>>) target_semaphore(%arg8 : memref<!tpu.dma_semaphore, #tpu.memory_space<semaphore_mem>>)
    %add3A_76 = arith.constant 262144 : i32
    %add3A_77 = arith.addi %mul3A_4, %add3A_76 : i32
    %dma_start3A_78 = tpu.memref_slice %arg3[%add3A_77] : memref<33554432xf32, #tpu.memory_space<hbm>> -> memref<16384xf32, #tpu.memory_space<hbm>>
    %dma_start3A_79 = tpu.memref_slice %arg3[%add3A_77] : memref<33554432xf32, #tpu.memory_space<hbm>> -> memref<16384xf32, #tpu.memory_space<hbm>>
    tpu.enqueue_dma source(%arg5 : memref<16384xf32, #tpu.memory_space<vmem>>) target(%dma_start3A_79 : memref<16384xf32, #tpu.memory_space<hbm>>) target_semaphore(%arg8 : memref<!tpu.dma_semaphore, #tpu.memory_space<semaphore_mem>>)
    %add3A_80 = arith.constant 278528 : i32
    %add3A_81 = arith.addi %mul3A_4, %add3A_80 : i32
    %dma_start3A_82 = tpu.memref_slice %arg3[%add3A_81] : memref<33554432xf32, #tpu.memory_space<hbm>> -> memref<16384xf32, #tpu.memory_space<hbm>>
    %dma_start3A_83 = tpu.memref_slice %arg3[%add3A_81] : memref<33554432xf32, #tpu.memory_space<hbm>> -> memref<16384xf32, #tpu.memory_space<hbm>>
    tpu.enqueue_dma source(%arg5 : memref<16384xf32, #tpu.memory_space<vmem>>) target(%dma_start3A_83 : memref<16384xf32, #tpu.memory_space<hbm>>) target_semaphore(%arg8 : memref<!tpu.dma_semaphore, #tpu.memory_space<semaphore_mem>>)
    %add3A_84 = arith.constant 294912 : i32
    %add3A_85 = arith.addi %mul3A_4, %add3A_84 : i32
    %dma_start3A_86 = tpu.memref_slice %arg3[%add3A_85] : memref<33554432xf32, #tpu.memory_space<hbm>> -> memref<16384xf32, #tpu.memory_space<hbm>>
    %dma_start3A_87 = tpu.memref_slice %arg3[%add3A_85] : memref<33554432xf32, #tpu.memory_space<hbm>> -> memref<16384xf32, #tpu.memory_space<hbm>>
    tpu.enqueue_dma source(%arg5 : memref<16384xf32, #tpu.memory_space<vmem>>) target(%dma_start3A_87 : memref<16384xf32, #tpu.memory_space<hbm>>) target_semaphore(%arg8 : memref<!tpu.dma_semaphore, #tpu.memory_space<semaphore_mem>>)
    %add3A_88 = arith.constant 311296 : i32
    %add3A_89 = arith.addi %mul3A_4, %add3A_88 : i32
    %dma_start3A_90 = tpu.memref_slice %arg3[%add3A_89] : memref<33554432xf32, #tpu.memory_space<hbm>> -> memref<16384xf32, #tpu.memory_space<hbm>>
    %dma_start3A_91 = tpu.memref_slice %arg3[%add3A_89] : memref<33554432xf32, #tpu.memory_space<hbm>> -> memref<16384xf32, #tpu.memory_space<hbm>>
    tpu.enqueue_dma source(%arg5 : memref<16384xf32, #tpu.memory_space<vmem>>) target(%dma_start3A_91 : memref<16384xf32, #tpu.memory_space<hbm>>) target_semaphore(%arg8 : memref<!tpu.dma_semaphore, #tpu.memory_space<semaphore_mem>>)
    %add3A_92 = arith.constant 327680 : i32
    %add3A_93 = arith.addi %mul3A_4, %add3A_92 : i32
    %dma_start3A_94 = tpu.memref_slice %arg3[%add3A_93] : memref<33554432xf32, #tpu.memory_space<hbm>> -> memref<16384xf32, #tpu.memory_space<hbm>>
    %dma_start3A_95 = tpu.memref_slice %arg3[%add3A_93] : memref<33554432xf32, #tpu.memory_space<hbm>> -> memref<16384xf32, #tpu.memory_space<hbm>>
    tpu.enqueue_dma source(%arg5 : memref<16384xf32, #tpu.memory_space<vmem>>) target(%dma_start3A_95 : memref<16384xf32, #tpu.memory_space<hbm>>) target_semaphore(%arg8 : memref<!tpu.dma_semaphore, #tpu.memory_space<semaphore_mem>>)
    %add3A_96 = arith.constant 344064 : i32
    %add3A_97 = arith.addi %mul3A_4, %add3A_96 : i32
    %dma_start3A_98 = tpu.memref_slice %arg3[%add3A_97] : memref<33554432xf32, #tpu.memory_space<hbm>> -> memref<16384xf32, #tpu.memory_space<hbm>>
    %dma_start3A_99 = tpu.memref_slice %arg3[%add3A_97] : memref<33554432xf32, #tpu.memory_space<hbm>> -> memref<16384xf32, #tpu.memory_space<hbm>>
    tpu.enqueue_dma source(%arg5 : memref<16384xf32, #tpu.memory_space<vmem>>) target(%dma_start3A_99 : memref<16384xf32, #tpu.memory_space<hbm>>) target_semaphore(%arg8 : memref<!tpu.dma_semaphore, #tpu.memory_space<semaphore_mem>>)
    %add3A_100 = arith.constant 360448 : i32
    %add3A_101 = arith.addi %mul3A_4, %add3A_100 : i32
    %dma_start3A_102 = tpu.memref_slice %arg3[%add3A_101] : memref<33554432xf32, #tpu.memory_space<hbm>> -> memref<16384xf32, #tpu.memory_space<hbm>>
    %dma_start3A_103 = tpu.memref_slice %arg3[%add3A_101] : memref<33554432xf32, #tpu.memory_space<hbm>> -> memref<16384xf32, #tpu.memory_space<hbm>>
    tpu.enqueue_dma source(%arg5 : memref<16384xf32, #tpu.memory_space<vmem>>) target(%dma_start3A_103 : memref<16384xf32, #tpu.memory_space<hbm>>) target_semaphore(%arg8 : memref<!tpu.dma_semaphore, #tpu.memory_space<semaphore_mem>>)
    %add3A_104 = arith.constant 376832 : i32
    %add3A_105 = arith.addi %mul3A_4, %add3A_104 : i32
    %dma_start3A_106 = tpu.memref_slice %arg3[%add3A_105] : memref<33554432xf32, #tpu.memory_space<hbm>> -> memref<16384xf32, #tpu.memory_space<hbm>>
    %dma_start3A_107 = tpu.memref_slice %arg3[%add3A_105] : memref<33554432xf32, #tpu.memory_space<hbm>> -> memref<16384xf32, #tpu.memory_space<hbm>>
    tpu.enqueue_dma source(%arg5 : memref<16384xf32, #tpu.memory_space<vmem>>) target(%dma_start3A_107 : memref<16384xf32, #tpu.memory_space<hbm>>) target_semaphore(%arg8 : memref<!tpu.dma_semaphore, #tpu.memory_space<semaphore_mem>>)
    %add3A_108 = arith.constant 393216 : i32
    %add3A_109 = arith.addi %mul3A_4, %add3A_108 : i32
    %dma_start3A_110 = tpu.memref_slice %arg3[%add3A_109] : memref<33554432xf32, #tpu.memory_space<hbm>> -> memref<16384xf32, #tpu.memory_space<hbm>>
    %dma_start3A_111 = tpu.memref_slice %arg3[%add3A_109] : memref<33554432xf32, #tpu.memory_space<hbm>> -> memref<16384xf32, #tpu.memory_space<hbm>>
    tpu.enqueue_dma source(%arg5 : memref<16384xf32, #tpu.memory_space<vmem>>) target(%dma_start3A_111 : memref<16384xf32, #tpu.memory_space<hbm>>) target_semaphore(%arg8 : memref<!tpu.dma_semaphore, #tpu.memory_space<semaphore_mem>>)
    %add3A_112 = arith.constant 409600 : i32
    %add3A_113 = arith.addi %mul3A_4, %add3A_112 : i32
    %dma_start3A_114 = tpu.memref_slice %arg3[%add3A_113] : memref<33554432xf32, #tpu.memory_space<hbm>> -> memref<16384xf32, #tpu.memory_space<hbm>>
    %dma_start3A_115 = tpu.memref_slice %arg3[%add3A_113] : memref<33554432xf32, #tpu.memory_space<hbm>> -> memref<16384xf32, #tpu.memory_space<hbm>>
    tpu.enqueue_dma source(%arg5 : memref<16384xf32, #tpu.memory_space<vmem>>) target(%dma_start3A_115 : memref<16384xf32, #tpu.memory_space<hbm>>) target_semaphore(%arg8 : memref<!tpu.dma_semaphore, #tpu.memory_space<semaphore_mem>>)
    %add3A_116 = arith.constant 425984 : i32
    %add3A_117 = arith.addi %mul3A_4, %add3A_116 : i32
    %dma_start3A_118 = tpu.memref_slice %arg3[%add3A_117] : memref<33554432xf32, #tpu.memory_space<hbm>> -> memref<16384xf32, #tpu.memory_space<hbm>>
    %dma_start3A_119 = tpu.memref_slice %arg3[%add3A_117] : memref<33554432xf32, #tpu.memory_space<hbm>> -> memref<16384xf32, #tpu.memory_space<hbm>>
    tpu.enqueue_dma source(%arg5 : memref<16384xf32, #tpu.memory_space<vmem>>) target(%dma_start3A_119 : memref<16384xf32, #tpu.memory_space<hbm>>) target_semaphore(%arg8 : memref<!tpu.dma_semaphore, #tpu.memory_space<semaphore_mem>>)
    %add3A_120 = arith.constant 442368 : i32
    %add3A_121 = arith.addi %mul3A_4, %add3A_120 : i32
    %dma_start3A_122 = tpu.memref_slice %arg3[%add3A_121] : memref<33554432xf32, #tpu.memory_space<hbm>> -> memref<16384xf32, #tpu.memory_space<hbm>>
    %dma_start3A_123 = tpu.memref_slice %arg3[%add3A_121] : memref<33554432xf32, #tpu.memory_space<hbm>> -> memref<16384xf32, #tpu.memory_space<hbm>>
    tpu.enqueue_dma source(%arg5 : memref<16384xf32, #tpu.memory_space<vmem>>) target(%dma_start3A_123 : memref<16384xf32, #tpu.memory_space<hbm>>) target_semaphore(%arg8 : memref<!tpu.dma_semaphore, #tpu.memory_space<semaphore_mem>>)
    %add3A_124 = arith.constant 458752 : i32
    %add3A_125 = arith.addi %mul3A_4, %add3A_124 : i32
    %dma_start3A_126 = tpu.memref_slice %arg3[%add3A_125] : memref<33554432xf32, #tpu.memory_space<hbm>> -> memref<16384xf32, #tpu.memory_space<hbm>>
    %dma_start3A_127 = tpu.memref_slice %arg3[%add3A_125] : memref<33554432xf32, #tpu.memory_space<hbm>> -> memref<16384xf32, #tpu.memory_space<hbm>>
    tpu.enqueue_dma source(%arg5 : memref<16384xf32, #tpu.memory_space<vmem>>) target(%dma_start3A_127 : memref<16384xf32, #tpu.memory_space<hbm>>) target_semaphore(%arg8 : memref<!tpu.dma_semaphore, #tpu.memory_space<semaphore_mem>>)
    %add3A_128 = arith.constant 475136 : i32
    %add3A_129 = arith.addi %mul3A_4, %add3A_128 : i32
    %dma_start3A_130 = tpu.memref_slice %arg3[%add3A_129] : memref<33554432xf32, #tpu.memory_space<hbm>> -> memref<16384xf32, #tpu.memory_space<hbm>>
    %dma_start3A_131 = tpu.memref_slice %arg3[%add3A_129] : memref<33554432xf32, #tpu.memory_space<hbm>> -> memref<16384xf32, #tpu.memory_space<hbm>>
    tpu.enqueue_dma source(%arg5 : memref<16384xf32, #tpu.memory_space<vmem>>) target(%dma_start3A_131 : memref<16384xf32, #tpu.memory_space<hbm>>) target_semaphore(%arg8 : memref<!tpu.dma_semaphore, #tpu.memory_space<semaphore_mem>>)
    %add3A_132 = arith.constant 491520 : i32
    %add3A_133 = arith.addi %mul3A_4, %add3A_132 : i32
    %dma_start3A_134 = tpu.memref_slice %arg3[%add3A_133] : memref<33554432xf32, #tpu.memory_space<hbm>> -> memref<16384xf32, #tpu.memory_space<hbm>>
    %dma_start3A_135 = tpu.memref_slice %arg3[%add3A_133] : memref<33554432xf32, #tpu.memory_space<hbm>> -> memref<16384xf32, #tpu.memory_space<hbm>>
    tpu.enqueue_dma source(%arg5 : memref<16384xf32, #tpu.memory_space<vmem>>) target(%dma_start3A_135 : memref<16384xf32, #tpu.memory_space<hbm>>) target_semaphore(%arg8 : memref<!tpu.dma_semaphore, #tpu.memory_space<semaphore_mem>>)
    %add3A_136 = arith.constant 507904 : i32
    %add3A_137 = arith.addi %mul3A_4, %add3A_136 : i32
    %dma_start3A_138 = tpu.memref_slice %arg3[%add3A_137] : memref<33554432xf32, #tpu.memory_space<hbm>> -> memref<16384xf32, #tpu.memory_space<hbm>>
    %dma_start3A_139 = tpu.memref_slice %arg3[%add3A_137] : memref<33554432xf32, #tpu.memory_space<hbm>> -> memref<16384xf32, #tpu.memory_space<hbm>>
    tpu.enqueue_dma source(%arg5 : memref<16384xf32, #tpu.memory_space<vmem>>) target(%dma_start3A_139 : memref<16384xf32, #tpu.memory_space<hbm>>) target_semaphore(%arg8 : memref<!tpu.dma_semaphore, #tpu.memory_space<semaphore_mem>>)
    %add3A_140 = arith.constant 524288 : i32
    %add3A_141 = arith.addi %mul3A_4, %add3A_140 : i32
    %dma_start3A_142 = tpu.memref_slice %arg3[%add3A_141] : memref<33554432xf32, #tpu.memory_space<hbm>> -> memref<16384xf32, #tpu.memory_space<hbm>>
    %dma_start3A_143 = tpu.memref_slice %arg3[%add3A_141] : memref<33554432xf32, #tpu.memory_space<hbm>> -> memref<16384xf32, #tpu.memory_space<hbm>>
    tpu.enqueue_dma source(%arg5 : memref<16384xf32, #tpu.memory_space<vmem>>) target(%dma_start3A_143 : memref<16384xf32, #tpu.memory_space<hbm>>) target_semaphore(%arg8 : memref<!tpu.dma_semaphore, #tpu.memory_space<semaphore_mem>>)
    %add3A_144 = arith.constant 540672 : i32
    %add3A_145 = arith.addi %mul3A_4, %add3A_144 : i32
    %dma_start3A_146 = tpu.memref_slice %arg3[%add3A_145] : memref<33554432xf32, #tpu.memory_space<hbm>> -> memref<16384xf32, #tpu.memory_space<hbm>>
    %dma_start3A_147 = tpu.memref_slice %arg3[%add3A_145] : memref<33554432xf32, #tpu.memory_space<hbm>> -> memref<16384xf32, #tpu.memory_space<hbm>>
    tpu.enqueue_dma source(%arg5 : memref<16384xf32, #tpu.memory_space<vmem>>) target(%dma_start3A_147 : memref<16384xf32, #tpu.memory_space<hbm>>) target_semaphore(%arg8 : memref<!tpu.dma_semaphore, #tpu.memory_space<semaphore_mem>>)
    %add3A_148 = arith.constant 557056 : i32
    %add3A_149 = arith.addi %mul3A_4, %add3A_148 : i32
    %dma_start3A_150 = tpu.memref_slice %arg3[%add3A_149] : memref<33554432xf32, #tpu.memory_space<hbm>> -> memref<16384xf32, #tpu.memory_space<hbm>>
    %dma_start3A_151 = tpu.memref_slice %arg3[%add3A_149] : memref<33554432xf32, #tpu.memory_space<hbm>> -> memref<16384xf32, #tpu.memory_space<hbm>>
    tpu.enqueue_dma source(%arg5 : memref<16384xf32, #tpu.memory_space<vmem>>) target(%dma_start3A_151 : memref<16384xf32, #tpu.memory_space<hbm>>) target_semaphore(%arg8 : memref<!tpu.dma_semaphore, #tpu.memory_space<semaphore_mem>>)
    %add3A_152 = arith.constant 573440 : i32
    %add3A_153 = arith.addi %mul3A_4, %add3A_152 : i32
    %dma_start3A_154 = tpu.memref_slice %arg3[%add3A_153] : memref<33554432xf32, #tpu.memory_space<hbm>> -> memref<16384xf32, #tpu.memory_space<hbm>>
    %dma_start3A_155 = tpu.memref_slice %arg3[%add3A_153] : memref<33554432xf32, #tpu.memory_space<hbm>> -> memref<16384xf32, #tpu.memory_space<hbm>>
    tpu.enqueue_dma source(%arg5 : memref<16384xf32, #tpu.memory_space<vmem>>) target(%dma_start3A_155 : memref<16384xf32, #tpu.memory_space<hbm>>) target_semaphore(%arg8 : memref<!tpu.dma_semaphore, #tpu.memory_space<semaphore_mem>>)
    %add3A_156 = arith.constant 589824 : i32
    %add3A_157 = arith.addi %mul3A_4, %add3A_156 : i32
    %dma_start3A_158 = tpu.memref_slice %arg3[%add3A_157] : memref<33554432xf32, #tpu.memory_space<hbm>> -> memref<16384xf32, #tpu.memory_space<hbm>>
    %dma_start3A_159 = tpu.memref_slice %arg3[%add3A_157] : memref<33554432xf32, #tpu.memory_space<hbm>> -> memref<16384xf32, #tpu.memory_space<hbm>>
    tpu.enqueue_dma source(%arg5 : memref<16384xf32, #tpu.memory_space<vmem>>) target(%dma_start3A_159 : memref<16384xf32, #tpu.memory_space<hbm>>) target_semaphore(%arg8 : memref<!tpu.dma_semaphore, #tpu.memory_space<semaphore_mem>>)
    %add3A_160 = arith.constant 606208 : i32
    %add3A_161 = arith.addi %mul3A_4, %add3A_160 : i32
    %dma_start3A_162 = tpu.memref_slice %arg3[%add3A_161] : memref<33554432xf32, #tpu.memory_space<hbm>> -> memref<16384xf32, #tpu.memory_space<hbm>>
    %dma_start3A_163 = tpu.memref_slice %arg3[%add3A_161] : memref<33554432xf32, #tpu.memory_space<hbm>> -> memref<16384xf32, #tpu.memory_space<hbm>>
    tpu.enqueue_dma source(%arg5 : memref<16384xf32, #tpu.memory_space<vmem>>) target(%dma_start3A_163 : memref<16384xf32, #tpu.memory_space<hbm>>) target_semaphore(%arg8 : memref<!tpu.dma_semaphore, #tpu.memory_space<semaphore_mem>>)
    %add3A_164 = arith.constant 622592 : i32
    %add3A_165 = arith.addi %mul3A_4, %add3A_164 : i32
    %dma_start3A_166 = tpu.memref_slice %arg3[%add3A_165] : memref<33554432xf32, #tpu.memory_space<hbm>> -> memref<16384xf32, #tpu.memory_space<hbm>>
    %dma_start3A_167 = tpu.memref_slice %arg3[%add3A_165] : memref<33554432xf32, #tpu.memory_space<hbm>> -> memref<16384xf32, #tpu.memory_space<hbm>>
    tpu.enqueue_dma source(%arg5 : memref<16384xf32, #tpu.memory_space<vmem>>) target(%dma_start3A_167 : memref<16384xf32, #tpu.memory_space<hbm>>) target_semaphore(%arg8 : memref<!tpu.dma_semaphore, #tpu.memory_space<semaphore_mem>>)
    %add3A_168 = arith.constant 638976 : i32
    %add3A_169 = arith.addi %mul3A_4, %add3A_168 : i32
    %dma_start3A_170 = tpu.memref_slice %arg3[%add3A_169] : memref<33554432xf32, #tpu.memory_space<hbm>> -> memref<16384xf32, #tpu.memory_space<hbm>>
    %dma_start3A_171 = tpu.memref_slice %arg3[%add3A_169] : memref<33554432xf32, #tpu.memory_space<hbm>> -> memref<16384xf32, #tpu.memory_space<hbm>>
    tpu.enqueue_dma source(%arg5 : memref<16384xf32, #tpu.memory_space<vmem>>) target(%dma_start3A_171 : memref<16384xf32, #tpu.memory_space<hbm>>) target_semaphore(%arg8 : memref<!tpu.dma_semaphore, #tpu.memory_space<semaphore_mem>>)
    %add3A_172 = arith.constant 655360 : i32
    %add3A_173 = arith.addi %mul3A_4, %add3A_172 : i32
    %dma_start3A_174 = tpu.memref_slice %arg3[%add3A_173] : memref<33554432xf32, #tpu.memory_space<hbm>> -> memref<16384xf32, #tpu.memory_space<hbm>>
    %dma_start3A_175 = tpu.memref_slice %arg3[%add3A_173] : memref<33554432xf32, #tpu.memory_space<hbm>> -> memref<16384xf32, #tpu.memory_space<hbm>>
    tpu.enqueue_dma source(%arg5 : memref<16384xf32, #tpu.memory_space<vmem>>) target(%dma_start3A_175 : memref<16384xf32, #tpu.memory_space<hbm>>) target_semaphore(%arg8 : memref<!tpu.dma_semaphore, #tpu.memory_space<semaphore_mem>>)
    %add3A_176 = arith.constant 671744 : i32
    %add3A_177 = arith.addi %mul3A_4, %add3A_176 : i32
    %dma_start3A_178 = tpu.memref_slice %arg3[%add3A_177] : memref<33554432xf32, #tpu.memory_space<hbm>> -> memref<16384xf32, #tpu.memory_space<hbm>>
    %dma_start3A_179 = tpu.memref_slice %arg3[%add3A_177] : memref<33554432xf32, #tpu.memory_space<hbm>> -> memref<16384xf32, #tpu.memory_space<hbm>>
    tpu.enqueue_dma source(%arg5 : memref<16384xf32, #tpu.memory_space<vmem>>) target(%dma_start3A_179 : memref<16384xf32, #tpu.memory_space<hbm>>) target_semaphore(%arg8 : memref<!tpu.dma_semaphore, #tpu.memory_space<semaphore_mem>>)
    %add3A_180 = arith.constant 688128 : i32
    %add3A_181 = arith.addi %mul3A_4, %add3A_180 : i32
    %dma_start3A_182 = tpu.memref_slice %arg3[%add3A_181] : memref<33554432xf32, #tpu.memory_space<hbm>> -> memref<16384xf32, #tpu.memory_space<hbm>>
    %dma_start3A_183 = tpu.memref_slice %arg3[%add3A_181] : memref<33554432xf32, #tpu.memory_space<hbm>> -> memref<16384xf32, #tpu.memory_space<hbm>>
    tpu.enqueue_dma source(%arg5 : memref<16384xf32, #tpu.memory_space<vmem>>) target(%dma_start3A_183 : memref<16384xf32, #tpu.memory_space<hbm>>) target_semaphore(%arg8 : memref<!tpu.dma_semaphore, #tpu.memory_space<semaphore_mem>>)
    %add3A_184 = arith.constant 704512 : i32
    %add3A_185 = arith.addi %mul3A_4, %add3A_184 : i32
    %dma_start3A_186 = tpu.memref_slice %arg3[%add3A_185] : memref<33554432xf32, #tpu.memory_space<hbm>> -> memref<16384xf32, #tpu.memory_space<hbm>>
    %dma_start3A_187 = tpu.memref_slice %arg3[%add3A_185] : memref<33554432xf32, #tpu.memory_space<hbm>> -> memref<16384xf32, #tpu.memory_space<hbm>>
    tpu.enqueue_dma source(%arg5 : memref<16384xf32, #tpu.memory_space<vmem>>) target(%dma_start3A_187 : memref<16384xf32, #tpu.memory_space<hbm>>) target_semaphore(%arg8 : memref<!tpu.dma_semaphore, #tpu.memory_space<semaphore_mem>>)
    %add3A_188 = arith.constant 720896 : i32
    %add3A_189 = arith.addi %mul3A_4, %add3A_188 : i32
    %dma_start3A_190 = tpu.memref_slice %arg3[%add3A_189] : memref<33554432xf32, #tpu.memory_space<hbm>> -> memref<16384xf32, #tpu.memory_space<hbm>>
    %dma_start3A_191 = tpu.memref_slice %arg3[%add3A_189] : memref<33554432xf32, #tpu.memory_space<hbm>> -> memref<16384xf32, #tpu.memory_space<hbm>>
    tpu.enqueue_dma source(%arg5 : memref<16384xf32, #tpu.memory_space<vmem>>) target(%dma_start3A_191 : memref<16384xf32, #tpu.memory_space<hbm>>) target_semaphore(%arg8 : memref<!tpu.dma_semaphore, #tpu.memory_space<semaphore_mem>>)
    %add3A_192 = arith.constant 737280 : i32
    %add3A_193 = arith.addi %mul3A_4, %add3A_192 : i32
    %dma_start3A_194 = tpu.memref_slice %arg3[%add3A_193] : memref<33554432xf32, #tpu.memory_space<hbm>> -> memref<16384xf32, #tpu.memory_space<hbm>>
    %dma_start3A_195 = tpu.memref_slice %arg3[%add3A_193] : memref<33554432xf32, #tpu.memory_space<hbm>> -> memref<16384xf32, #tpu.memory_space<hbm>>
    tpu.enqueue_dma source(%arg5 : memref<16384xf32, #tpu.memory_space<vmem>>) target(%dma_start3A_195 : memref<16384xf32, #tpu.memory_space<hbm>>) target_semaphore(%arg8 : memref<!tpu.dma_semaphore, #tpu.memory_space<semaphore_mem>>)
    %add3A_196 = arith.constant 753664 : i32
    %add3A_197 = arith.addi %mul3A_4, %add3A_196 : i32
    %dma_start3A_198 = tpu.memref_slice %arg3[%add3A_197] : memref<33554432xf32, #tpu.memory_space<hbm>> -> memref<16384xf32, #tpu.memory_space<hbm>>
    %dma_start3A_199 = tpu.memref_slice %arg3[%add3A_197] : memref<33554432xf32, #tpu.memory_space<hbm>> -> memref<16384xf32, #tpu.memory_space<hbm>>
    tpu.enqueue_dma source(%arg5 : memref<16384xf32, #tpu.memory_space<vmem>>) target(%dma_start3A_199 : memref<16384xf32, #tpu.memory_space<hbm>>) target_semaphore(%arg8 : memref<!tpu.dma_semaphore, #tpu.memory_space<semaphore_mem>>)
    %add3A_200 = arith.constant 770048 : i32
    %add3A_201 = arith.addi %mul3A_4, %add3A_200 : i32
    %dma_start3A_202 = tpu.memref_slice %arg3[%add3A_201] : memref<33554432xf32, #tpu.memory_space<hbm>> -> memref<16384xf32, #tpu.memory_space<hbm>>
    %dma_start3A_203 = tpu.memref_slice %arg3[%add3A_201] : memref<33554432xf32, #tpu.memory_space<hbm>> -> memref<16384xf32, #tpu.memory_space<hbm>>
    tpu.enqueue_dma source(%arg5 : memref<16384xf32, #tpu.memory_space<vmem>>) target(%dma_start3A_203 : memref<16384xf32, #tpu.memory_space<hbm>>) target_semaphore(%arg8 : memref<!tpu.dma_semaphore, #tpu.memory_space<semaphore_mem>>)
    %add3A_204 = arith.constant 786432 : i32
    %add3A_205 = arith.addi %mul3A_4, %add3A_204 : i32
    %dma_start3A_206 = tpu.memref_slice %arg3[%add3A_205] : memref<33554432xf32, #tpu.memory_space<hbm>> -> memref<16384xf32, #tpu.memory_space<hbm>>
    %dma_start3A_207 = tpu.memref_slice %arg3[%add3A_205] : memref<33554432xf32, #tpu.memory_space<hbm>> -> memref<16384xf32, #tpu.memory_space<hbm>>
    tpu.enqueue_dma source(%arg5 : memref<16384xf32, #tpu.memory_space<vmem>>) target(%dma_start3A_207 : memref<16384xf32, #tpu.memory_space<hbm>>) target_semaphore(%arg8 : memref<!tpu.dma_semaphore, #tpu.memory_space<semaphore_mem>>)
    %add3A_208 = arith.constant 802816 : i32
    %add3A_209 = arith.addi %mul3A_4, %add3A_208 : i32
    %dma_start3A_210 = tpu.memref_slice %arg3[%add3A_209] : memref<33554432xf32, #tpu.memory_space<hbm>> -> memref<16384xf32, #tpu.memory_space<hbm>>
    %dma_start3A_211 = tpu.memref_slice %arg3[%add3A_209] : memref<33554432xf32, #tpu.memory_space<hbm>> -> memref<16384xf32, #tpu.memory_space<hbm>>
    tpu.enqueue_dma source(%arg5 : memref<16384xf32, #tpu.memory_space<vmem>>) target(%dma_start3A_211 : memref<16384xf32, #tpu.memory_space<hbm>>) target_semaphore(%arg8 : memref<!tpu.dma_semaphore, #tpu.memory_space<semaphore_mem>>)
    %add3A_212 = arith.constant 819200 : i32
    %add3A_213 = arith.addi %mul3A_4, %add3A_212 : i32
    %dma_start3A_214 = tpu.memref_slice %arg3[%add3A_213] : memref<33554432xf32, #tpu.memory_space<hbm>> -> memref<16384xf32, #tpu.memory_space<hbm>>
    %dma_start3A_215 = tpu.memref_slice %arg3[%add3A_213] : memref<33554432xf32, #tpu.memory_space<hbm>> -> memref<16384xf32, #tpu.memory_space<hbm>>
    tpu.enqueue_dma source(%arg5 : memref<16384xf32, #tpu.memory_space<vmem>>) target(%dma_start3A_215 : memref<16384xf32, #tpu.memory_space<hbm>>) target_semaphore(%arg8 : memref<!tpu.dma_semaphore, #tpu.memory_space<semaphore_mem>>)
    %add3A_216 = arith.constant 835584 : i32
    %add3A_217 = arith.addi %mul3A_4, %add3A_216 : i32
    %dma_start3A_218 = tpu.memref_slice %arg3[%add3A_217] : memref<33554432xf32, #tpu.memory_space<hbm>> -> memref<16384xf32, #tpu.memory_space<hbm>>
    %dma_start3A_219 = tpu.memref_slice %arg3[%add3A_217] : memref<33554432xf32, #tpu.memory_space<hbm>> -> memref<16384xf32, #tpu.memory_space<hbm>>
    tpu.enqueue_dma source(%arg5 : memref<16384xf32, #tpu.memory_space<vmem>>) target(%dma_start3A_219 : memref<16384xf32, #tpu.memory_space<hbm>>) target_semaphore(%arg8 : memref<!tpu.dma_semaphore, #tpu.memory_space<semaphore_mem>>)
    %add3A_220 = arith.constant 851968 : i32
    %add3A_221 = arith.addi %mul3A_4, %add3A_220 : i32
    %dma_start3A_222 = tpu.memref_slice %arg3[%add3A_221] : memref<33554432xf32, #tpu.memory_space<hbm>> -> memref<16384xf32, #tpu.memory_space<hbm>>
    %dma_start3A_223 = tpu.memref_slice %arg3[%add3A_221] : memref<33554432xf32, #tpu.memory_space<hbm>> -> memref<16384xf32, #tpu.memory_space<hbm>>
    tpu.enqueue_dma source(%arg5 : memref<16384xf32, #tpu.memory_space<vmem>>) target(%dma_start3A_223 : memref<16384xf32, #tpu.memory_space<hbm>>) target_semaphore(%arg8 : memref<!tpu.dma_semaphore, #tpu.memory_space<semaphore_mem>>)
    %add3A_224 = arith.constant 868352 : i32
    %add3A_225 = arith.addi %mul3A_4, %add3A_224 : i32
    %dma_start3A_226 = tpu.memref_slice %arg3[%add3A_225] : memref<33554432xf32, #tpu.memory_space<hbm>> -> memref<16384xf32, #tpu.memory_space<hbm>>
    %dma_start3A_227 = tpu.memref_slice %arg3[%add3A_225] : memref<33554432xf32, #tpu.memory_space<hbm>> -> memref<16384xf32, #tpu.memory_space<hbm>>
    tpu.enqueue_dma source(%arg5 : memref<16384xf32, #tpu.memory_space<vmem>>) target(%dma_start3A_227 : memref<16384xf32, #tpu.memory_space<hbm>>) target_semaphore(%arg8 : memref<!tpu.dma_semaphore, #tpu.memory_space<semaphore_mem>>)
    %add3A_228 = arith.constant 884736 : i32
    %add3A_229 = arith.addi %mul3A_4, %add3A_228 : i32
    %dma_start3A_230 = tpu.memref_slice %arg3[%add3A_229] : memref<33554432xf32, #tpu.memory_space<hbm>> -> memref<16384xf32, #tpu.memory_space<hbm>>
    %dma_start3A_231 = tpu.memref_slice %arg3[%add3A_229] : memref<33554432xf32, #tpu.memory_space<hbm>> -> memref<16384xf32, #tpu.memory_space<hbm>>
    tpu.enqueue_dma source(%arg5 : memref<16384xf32, #tpu.memory_space<vmem>>) target(%dma_start3A_231 : memref<16384xf32, #tpu.memory_space<hbm>>) target_semaphore(%arg8 : memref<!tpu.dma_semaphore, #tpu.memory_space<semaphore_mem>>)
    %add3A_232 = arith.constant 901120 : i32
    %add3A_233 = arith.addi %mul3A_4, %add3A_232 : i32
    %dma_start3A_234 = tpu.memref_slice %arg3[%add3A_233] : memref<33554432xf32, #tpu.memory_space<hbm>> -> memref<16384xf32, #tpu.memory_space<hbm>>
    %dma_start3A_235 = tpu.memref_slice %arg3[%add3A_233] : memref<33554432xf32, #tpu.memory_space<hbm>> -> memref<16384xf32, #tpu.memory_space<hbm>>
    tpu.enqueue_dma source(%arg5 : memref<16384xf32, #tpu.memory_space<vmem>>) target(%dma_start3A_235 : memref<16384xf32, #tpu.memory_space<hbm>>) target_semaphore(%arg8 : memref<!tpu.dma_semaphore, #tpu.memory_space<semaphore_mem>>)
    %add3A_236 = arith.constant 917504 : i32
    %add3A_237 = arith.addi %mul3A_4, %add3A_236 : i32
    %dma_start3A_238 = tpu.memref_slice %arg3[%add3A_237] : memref<33554432xf32, #tpu.memory_space<hbm>> -> memref<16384xf32, #tpu.memory_space<hbm>>
    %dma_start3A_239 = tpu.memref_slice %arg3[%add3A_237] : memref<33554432xf32, #tpu.memory_space<hbm>> -> memref<16384xf32, #tpu.memory_space<hbm>>
    tpu.enqueue_dma source(%arg5 : memref<16384xf32, #tpu.memory_space<vmem>>) target(%dma_start3A_239 : memref<16384xf32, #tpu.memory_space<hbm>>) target_semaphore(%arg8 : memref<!tpu.dma_semaphore, #tpu.memory_space<semaphore_mem>>)
    %add3A_240 = arith.constant 933888 : i32
    %add3A_241 = arith.addi %mul3A_4, %add3A_240 : i32
    %dma_start3A_242 = tpu.memref_slice %arg3[%add3A_241] : memref<33554432xf32, #tpu.memory_space<hbm>> -> memref<16384xf32, #tpu.memory_space<hbm>>
    %dma_start3A_243 = tpu.memref_slice %arg3[%add3A_241] : memref<33554432xf32, #tpu.memory_space<hbm>> -> memref<16384xf32, #tpu.memory_space<hbm>>
    tpu.enqueue_dma source(%arg5 : memref<16384xf32, #tpu.memory_space<vmem>>) target(%dma_start3A_243 : memref<16384xf32, #tpu.memory_space<hbm>>) target_semaphore(%arg8 : memref<!tpu.dma_semaphore, #tpu.memory_space<semaphore_mem>>)
    %add3A_244 = arith.constant 950272 : i32
    %add3A_245 = arith.addi %mul3A_4, %add3A_244 : i32
    %dma_start3A_246 = tpu.memref_slice %arg3[%add3A_245] : memref<33554432xf32, #tpu.memory_space<hbm>> -> memref<16384xf32, #tpu.memory_space<hbm>>
    %dma_start3A_247 = tpu.memref_slice %arg3[%add3A_245] : memref<33554432xf32, #tpu.memory_space<hbm>> -> memref<16384xf32, #tpu.memory_space<hbm>>
    tpu.enqueue_dma source(%arg5 : memref<16384xf32, #tpu.memory_space<vmem>>) target(%dma_start3A_247 : memref<16384xf32, #tpu.memory_space<hbm>>) target_semaphore(%arg8 : memref<!tpu.dma_semaphore, #tpu.memory_space<semaphore_mem>>)
    %add3A_248 = arith.constant 966656 : i32
    %add3A_249 = arith.addi %mul3A_4, %add3A_248 : i32
    %dma_start3A_250 = tpu.memref_slice %arg3[%add3A_249] : memref<33554432xf32, #tpu.memory_space<hbm>> -> memref<16384xf32, #tpu.memory_space<hbm>>
    %dma_start3A_251 = tpu.memref_slice %arg3[%add3A_249] : memref<33554432xf32, #tpu.memory_space<hbm>> -> memref<16384xf32, #tpu.memory_space<hbm>>
    tpu.enqueue_dma source(%arg5 : memref<16384xf32, #tpu.memory_space<vmem>>) target(%dma_start3A_251 : memref<16384xf32, #tpu.memory_space<hbm>>) target_semaphore(%arg8 : memref<!tpu.dma_semaphore, #tpu.memory_space<semaphore_mem>>)
    %add3A_252 = arith.constant 983040 : i32
    %add3A_253 = arith.addi %mul3A_4, %add3A_252 : i32
    %dma_start3A_254 = tpu.memref_slice %arg3[%add3A_253] : memref<33554432xf32, #tpu.memory_space<hbm>> -> memref<16384xf32, #tpu.memory_space<hbm>>
    %dma_start3A_255 = tpu.memref_slice %arg3[%add3A_253] : memref<33554432xf32, #tpu.memory_space<hbm>> -> memref<16384xf32, #tpu.memory_space<hbm>>
    tpu.enqueue_dma source(%arg5 : memref<16384xf32, #tpu.memory_space<vmem>>) target(%dma_start3A_255 : memref<16384xf32, #tpu.memory_space<hbm>>) target_semaphore(%arg8 : memref<!tpu.dma_semaphore, #tpu.memory_space<semaphore_mem>>)
    %add3A_256 = arith.constant 999424 : i32
    %add3A_257 = arith.addi %mul3A_4, %add3A_256 : i32
    %dma_start3A_258 = tpu.memref_slice %arg3[%add3A_257] : memref<33554432xf32, #tpu.memory_space<hbm>> -> memref<16384xf32, #tpu.memory_space<hbm>>
    %dma_start3A_259 = tpu.memref_slice %arg3[%add3A_257] : memref<33554432xf32, #tpu.memory_space<hbm>> -> memref<16384xf32, #tpu.memory_space<hbm>>
    tpu.enqueue_dma source(%arg5 : memref<16384xf32, #tpu.memory_space<vmem>>) target(%dma_start3A_259 : memref<16384xf32, #tpu.memory_space<hbm>>) target_semaphore(%arg8 : memref<!tpu.dma_semaphore, #tpu.memory_space<semaphore_mem>>)
    %add3A_260 = arith.constant 1015808 : i32
    %add3A_261 = arith.addi %mul3A_4, %add3A_260 : i32
    %dma_start3A_262 = tpu.memref_slice %arg3[%add3A_261] : memref<33554432xf32, #tpu.memory_space<hbm>> -> memref<16384xf32, #tpu.memory_space<hbm>>
    %dma_start3A_263 = tpu.memref_slice %arg3[%add3A_261] : memref<33554432xf32, #tpu.memory_space<hbm>> -> memref<16384xf32, #tpu.memory_space<hbm>>
    tpu.enqueue_dma source(%arg5 : memref<16384xf32, #tpu.memory_space<vmem>>) target(%dma_start3A_263 : memref<16384xf32, #tpu.memory_space<hbm>>) target_semaphore(%arg8 : memref<!tpu.dma_semaphore, #tpu.memory_space<semaphore_mem>>)
    %add3A_264 = arith.constant 1032192 : i32
    %add3A_265 = arith.addi %mul3A_4, %add3A_264 : i32
    %dma_start3A_266 = tpu.memref_slice %arg3[%add3A_265] : memref<33554432xf32, #tpu.memory_space<hbm>> -> memref<16384xf32, #tpu.memory_space<hbm>>
    %dma_start3A_267 = tpu.memref_slice %arg3[%add3A_265] : memref<33554432xf32, #tpu.memory_space<hbm>> -> memref<16384xf32, #tpu.memory_space<hbm>>
    tpu.enqueue_dma source(%arg5 : memref<16384xf32, #tpu.memory_space<vmem>>) target(%dma_start3A_267 : memref<16384xf32, #tpu.memory_space<hbm>>) target_semaphore(%arg8 : memref<!tpu.dma_semaphore, #tpu.memory_space<semaphore_mem>>)
    %iota3A = tpu.iota {dimensions = array<i32: 0>} : vector<16xi32>
    %broadcast_in_dim3A_268 = arith.constant 1.000000e+00 : f32
    %broadcast_in_dim3A_269 = vector.broadcast %broadcast_in_dim3A_268 : f32 to vector<16xf32>
    %get3A = arith.constant 0 : index
    %get3A_270 = tpu.vector_load %arg4[%get3A] {strides = array<i32>} : memref<128xi32, #tpu.memory_space<vmem>>, vector<16xi32>,
    %get3A_271 = vector.shape_cast %get3A_270 : vector<16xi32> to vector<16xi32>
    %max3A = arith.constant 0 : i32
    %max3A_272 = vector.broadcast %max3A : i32 to vector<16xi32>
    %max3A_273 = arith.maxsi %get3A_271, %max3A_272 : vector<16xi32>
    %min3A = arith.constant 8191 : i32
    %min3A_274 = vector.broadcast %min3A : i32 to vector<16xi32>
    %min3A_275 = arith.minsi %max3A_273, %min3A_274 : vector<16xi32>
    %mul3A_276 = arith.constant 128 : i32
    %mul3A_277 = arith.muli %add3A, %mul3A_276 : i32
    %add3A_278 = arith.constant 0 : i32
    %add3A_279 = arith.addi %mul3A_277, %add3A_278 : i32
    %add3A_280 = vector.broadcast %add3A_279 : i32 to vector<16xi32>
    %add3A_281 = arith.addi %add3A_280, %iota3A : vector<16xi32>
    %mul3A_282 = arith.constant 8192 : i32
    %mul3A_283 = vector.broadcast %mul3A_282 : i32 to vector<16xi32>
    %mul3A_284 = arith.muli %add3A_281, %mul3A_283 : vector<16xi32>
    %add3A_285 = arith.addi %mul3A_284, %min3A_275 : vector<16xi32>
    %swap3A = arith.constant 0 : index
    %swap3A_286 = tpu.vector_load %arg7[%swap3A] {strides = array<i32>} : memref<128xi32, #tpu.memory_space<vmem>>, vector<16xi32>,
    %swap3A_287 = vector.shape_cast %swap3A_286 : vector<16xi32> to vector<16xi32>
    %swap3A_288 = vector.shape_cast %add3A_285 : vector<16xi32> to vector<16xi32>
    tpu.vector_store %arg7[%swap3A], %swap3A_288 {strides = array<i32>} : memref<128xi32, #tpu.memory_space<vmem>>, vector<16xi32>,
    %swap3A_289 = arith.constant 0 : index
    %swap3A_290 = tpu.vector_load %arg6[%swap3A_289] {strides = array<i32>} : memref<128xf32, #tpu.memory_space<vmem>>, vector<16xf32>,
    %swap3A_291 = vector.shape_cast %swap3A_290 : vector<16xf32> to vector<16xf32>
    %swap3A_292 = vector.shape_cast %broadcast_in_dim3A_269 : vector<16xf32> to vector<16xf32>
    tpu.vector_store %arg6[%swap3A_289], %swap3A_292 {strides = array<i32>} : memref<128xf32, #tpu.memory_space<vmem>>, vector<16xf32>,
    %get3A_293 = arith.constant 16 : index
    %get3A_294 = tpu.vector_load %arg4[%get3A_293] {strides = array<i32>} : memref<128xi32, #tpu.memory_space<vmem>>, vector<16xi32>,
    %get3A_295 = vector.shape_cast %get3A_294 : vector<16xi32> to vector<16xi32>
    %max3A_296 = arith.constant 0 : i32
    %max3A_297 = vector.broadcast %max3A_296 : i32 to vector<16xi32>
    %max3A_298 = arith.maxsi %get3A_295, %max3A_297 : vector<16xi32>
    %min3A_299 = arith.constant 8191 : i32
    %min3A_300 = vector.broadcast %min3A_299 : i32 to vector<16xi32>
    %min3A_301 = arith.minsi %max3A_298, %min3A_300 : vector<16xi32>
    %mul3A_302 = arith.constant 128 : i32
    %mul3A_303 = arith.muli %add3A, %mul3A_302 : i32
    %add3A_304 = arith.constant 16 : i32
    %add3A_305 = arith.addi %mul3A_303, %add3A_304 : i32
    %add3A_306 = vector.broadcast %add3A_305 : i32 to vector<16xi32>
    %add3A_307 = arith.addi %add3A_306, %iota3A : vector<16xi32>
    %mul3A_308 = arith.constant 8192 : i32
    %mul3A_309 = vector.broadcast %mul3A_308 : i32 to vector<16xi32>
    %mul3A_310 = arith.muli %add3A_307, %mul3A_309 : vector<16xi32>
    %add3A_311 = arith.addi %mul3A_310, %min3A_301 : vector<16xi32>
    %swap3A_312 = arith.constant 16 : index
    %swap3A_313 = tpu.vector_load %arg7[%swap3A_312] {strides = array<i32>} : memref<128xi32, #tpu.memory_space<vmem>>, vector<16xi32>,
    %swap3A_314 = vector.shape_cast %swap3A_313 : vector<16xi32> to vector<16xi32>
    %swap3A_315 = vector.shape_cast %add3A_311 : vector<16xi32> to vector<16xi32>
    tpu.vector_store %arg7[%swap3A_312], %swap3A_315 {strides = array<i32>} : memref<128xi32, #tpu.memory_space<vmem>>, vector<16xi32>,
    %swap3A_316 = arith.constant 16 : index
    %swap3A_317 = tpu.vector_load %arg6[%swap3A_316] {strides = array<i32>} : memref<128xf32, #tpu.memory_space<vmem>>, vector<16xf32>,
    %swap3A_318 = vector.shape_cast %swap3A_317 : vector<16xf32> to vector<16xf32>
    %swap3A_319 = vector.shape_cast %broadcast_in_dim3A_269 : vector<16xf32> to vector<16xf32>
    tpu.vector_store %arg6[%swap3A_316], %swap3A_319 {strides = array<i32>} : memref<128xf32, #tpu.memory_space<vmem>>, vector<16xf32>,
    %get3A_320 = arith.constant 32 : index
    %get3A_321 = tpu.vector_load %arg4[%get3A_320] {strides = array<i32>} : memref<128xi32, #tpu.memory_space<vmem>>, vector<16xi32>,
    %get3A_322 = vector.shape_cast %get3A_321 : vector<16xi32> to vector<16xi32>
    %max3A_323 = arith.constant 0 : i32
    %max3A_324 = vector.broadcast %max3A_323 : i32 to vector<16xi32>
    %max3A_325 = arith.maxsi %get3A_322, %max3A_324 : vector<16xi32>
    %min3A_326 = arith.constant 8191 : i32
    %min3A_327 = vector.broadcast %min3A_326 : i32 to vector<16xi32>
    %min3A_328 = arith.minsi %max3A_325, %min3A_327 : vector<16xi32>
    %mul3A_329 = arith.constant 128 : i32
    %mul3A_330 = arith.muli %add3A, %mul3A_329 : i32
    %add3A_331 = arith.constant 32 : i32
    %add3A_332 = arith.addi %mul3A_330, %add3A_331 : i32
    %add3A_333 = vector.broadcast %add3A_332 : i32 to vector<16xi32>
    %add3A_334 = arith.addi %add3A_333, %iota3A : vector<16xi32>
    %mul3A_335 = arith.constant 8192 : i32
    %mul3A_336 = vector.broadcast %mul3A_335 : i32 to vector<16xi32>
    %mul3A_337 = arith.muli %add3A_334, %mul3A_336 : vector<16xi32>
    %add3A_338 = arith.addi %mul3A_337, %min3A_328 : vector<16xi32>
    %swap3A_339 = arith.constant 32 : index
    %swap3A_340 = tpu.vector_load %arg7[%swap3A_339] {strides = array<i32>} : memref<128xi32, #tpu.memory_space<vmem>>, vector<16xi32>,
    %swap3A_341 = vector.shape_cast %swap3A_340 : vector<16xi32> to vector<16xi32>
    %swap3A_342 = vector.shape_cast %add3A_338 : vector<16xi32> to vector<16xi32>
    tpu.vector_store %arg7[%swap3A_339], %swap3A_342 {strides = array<i32>} : memref<128xi32, #tpu.memory_space<vmem>>, vector<16xi32>,
    %swap3A_343 = arith.constant 32 : index
    %swap3A_344 = tpu.vector_load %arg6[%swap3A_343] {strides = array<i32>} : memref<128xf32, #tpu.memory_space<vmem>>, vector<16xf32>,
    %swap3A_345 = vector.shape_cast %swap3A_344 : vector<16xf32> to vector<16xf32>
    %swap3A_346 = vector.shape_cast %broadcast_in_dim3A_269 : vector<16xf32> to vector<16xf32>
    tpu.vector_store %arg6[%swap3A_343], %swap3A_346 {strides = array<i32>} : memref<128xf32, #tpu.memory_space<vmem>>, vector<16xf32>,
    %get3A_347 = arith.constant 48 : index
    %get3A_348 = tpu.vector_load %arg4[%get3A_347] {strides = array<i32>} : memref<128xi32, #tpu.memory_space<vmem>>, vector<16xi32>,
    %get3A_349 = vector.shape_cast %get3A_348 : vector<16xi32> to vector<16xi32>
    %max3A_350 = arith.constant 0 : i32
    %max3A_351 = vector.broadcast %max3A_350 : i32 to vector<16xi32>
    %max3A_352 = arith.maxsi %get3A_349, %max3A_351 : vector<16xi32>
    %min3A_353 = arith.constant 8191 : i32
    %min3A_354 = vector.broadcast %min3A_353 : i32 to vector<16xi32>
    %min3A_355 = arith.minsi %max3A_352, %min3A_354 : vector<16xi32>
    %mul3A_356 = arith.constant 128 : i32
    %mul3A_357 = arith.muli %add3A, %mul3A_356 : i32
    %add3A_358 = arith.constant 48 : i32
    %add3A_359 = arith.addi %mul3A_357, %add3A_358 : i32
    %add3A_360 = vector.broadcast %add3A_359 : i32 to vector<16xi32>
    %add3A_361 = arith.addi %add3A_360, %iota3A : vector<16xi32>
    %mul3A_362 = arith.constant 8192 : i32
    %mul3A_363 = vector.broadcast %mul3A_362 : i32 to vector<16xi32>
    %mul3A_364 = arith.muli %add3A_361, %mul3A_363 : vector<16xi32>
    %add3A_365 = arith.addi %mul3A_364, %min3A_355 : vector<16xi32>
    %swap3A_366 = arith.constant 48 : index
    %swap3A_367 = tpu.vector_load %arg7[%swap3A_366] {strides = array<i32>} : memref<128xi32, #tpu.memory_space<vmem>>, vector<16xi32>,
    %swap3A_368 = vector.shape_cast %swap3A_367 : vector<16xi32> to vector<16xi32>
    %swap3A_369 = vector.shape_cast %add3A_365 : vector<16xi32> to vector<16xi32>
    tpu.vector_store %arg7[%swap3A_366], %swap3A_369 {strides = array<i32>} : memref<128xi32, #tpu.memory_space<vmem>>, vector<16xi32>,
    %swap3A_370 = arith.constant 48 : index
    %swap3A_371 = tpu.vector_load %arg6[%swap3A_370] {strides = array<i32>} : memref<128xf32, #tpu.memory_space<vmem>>, vector<16xf32>,
    %swap3A_372 = vector.shape_cast %swap3A_371 : vector<16xf32> to vector<16xf32>
    %swap3A_373 = vector.shape_cast %broadcast_in_dim3A_269 : vector<16xf32> to vector<16xf32>
    tpu.vector_store %arg6[%swap3A_370], %swap3A_373 {strides = array<i32>} : memref<128xf32, #tpu.memory_space<vmem>>, vector<16xf32>,
    %get3A_374 = arith.constant 64 : index
    %get3A_375 = tpu.vector_load %arg4[%get3A_374] {strides = array<i32>} : memref<128xi32, #tpu.memory_space<vmem>>, vector<16xi32>,
    %get3A_376 = vector.shape_cast %get3A_375 : vector<16xi32> to vector<16xi32>
    %max3A_377 = arith.constant 0 : i32
    %max3A_378 = vector.broadcast %max3A_377 : i32 to vector<16xi32>
    %max3A_379 = arith.maxsi %get3A_376, %max3A_378 : vector<16xi32>
    %min3A_380 = arith.constant 8191 : i32
    %min3A_381 = vector.broadcast %min3A_380 : i32 to vector<16xi32>
    %min3A_382 = arith.minsi %max3A_379, %min3A_381 : vector<16xi32>
    %mul3A_383 = arith.constant 128 : i32
    %mul3A_384 = arith.muli %add3A, %mul3A_383 : i32
    %add3A_385 = arith.constant 64 : i32
    %add3A_386 = arith.addi %mul3A_384, %add3A_385 : i32
    %add3A_387 = vector.broadcast %add3A_386 : i32 to vector<16xi32>
    %add3A_388 = arith.addi %add3A_387, %iota3A : vector<16xi32>
    %mul3A_389 = arith.constant 8192 : i32
    %mul3A_390 = vector.broadcast %mul3A_389 : i32 to vector<16xi32>
    %mul3A_391 = arith.muli %add3A_388, %mul3A_390 : vector<16xi32>
    %add3A_392 = arith.addi %mul3A_391, %min3A_382 : vector<16xi32>
    %swap3A_393 = arith.constant 64 : index
    %swap3A_394 = tpu.vector_load %arg7[%swap3A_393] {strides = array<i32>} : memref<128xi32, #tpu.memory_space<vmem>>, vector<16xi32>,
    %swap3A_395 = vector.shape_cast %swap3A_394 : vector<16xi32> to vector<16xi32>
    %swap3A_396 = vector.shape_cast %add3A_392 : vector<16xi32> to vector<16xi32>
    tpu.vector_store %arg7[%swap3A_393], %swap3A_396 {strides = array<i32>} : memref<128xi32, #tpu.memory_space<vmem>>, vector<16xi32>,
    %swap3A_397 = arith.constant 64 : index
    %swap3A_398 = tpu.vector_load %arg6[%swap3A_397] {strides = array<i32>} : memref<128xf32, #tpu.memory_space<vmem>>, vector<16xf32>,
    %swap3A_399 = vector.shape_cast %swap3A_398 : vector<16xf32> to vector<16xf32>
    %swap3A_400 = vector.shape_cast %broadcast_in_dim3A_269 : vector<16xf32> to vector<16xf32>
    tpu.vector_store %arg6[%swap3A_397], %swap3A_400 {strides = array<i32>} : memref<128xf32, #tpu.memory_space<vmem>>, vector<16xf32>,
    %get3A_401 = arith.constant 80 : index
    %get3A_402 = tpu.vector_load %arg4[%get3A_401] {strides = array<i32>} : memref<128xi32, #tpu.memory_space<vmem>>, vector<16xi32>,
    %get3A_403 = vector.shape_cast %get3A_402 : vector<16xi32> to vector<16xi32>
    %max3A_404 = arith.constant 0 : i32
    %max3A_405 = vector.broadcast %max3A_404 : i32 to vector<16xi32>
    %max3A_406 = arith.maxsi %get3A_403, %max3A_405 : vector<16xi32>
    %min3A_407 = arith.constant 8191 : i32
    %min3A_408 = vector.broadcast %min3A_407 : i32 to vector<16xi32>
    %min3A_409 = arith.minsi %max3A_406, %min3A_408 : vector<16xi32>
    %mul3A_410 = arith.constant 128 : i32
    %mul3A_411 = arith.muli %add3A, %mul3A_410 : i32
    %add3A_412 = arith.constant 80 : i32
    %add3A_413 = arith.addi %mul3A_411, %add3A_412 : i32
    %add3A_414 = vector.broadcast %add3A_413 : i32 to vector<16xi32>
    %add3A_415 = arith.addi %add3A_414, %iota3A : vector<16xi32>
    %mul3A_416 = arith.constant 8192 : i32
    %mul3A_417 = vector.broadcast %mul3A_416 : i32 to vector<16xi32>
    %mul3A_418 = arith.muli %add3A_415, %mul3A_417 : vector<16xi32>
    %add3A_419 = arith.addi %mul3A_418, %min3A_409 : vector<16xi32>
    %swap3A_420 = arith.constant 80 : index
    %swap3A_421 = tpu.vector_load %arg7[%swap3A_420] {strides = array<i32>} : memref<128xi32, #tpu.memory_space<vmem>>, vector<16xi32>,
    %swap3A_422 = vector.shape_cast %swap3A_421 : vector<16xi32> to vector<16xi32>
    %swap3A_423 = vector.shape_cast %add3A_419 : vector<16xi32> to vector<16xi32>
    tpu.vector_store %arg7[%swap3A_420], %swap3A_423 {strides = array<i32>} : memref<128xi32, #tpu.memory_space<vmem>>, vector<16xi32>,
    %swap3A_424 = arith.constant 80 : index
    %swap3A_425 = tpu.vector_load %arg6[%swap3A_424] {strides = array<i32>} : memref<128xf32, #tpu.memory_space<vmem>>, vector<16xf32>,
    %swap3A_426 = vector.shape_cast %swap3A_425 : vector<16xf32> to vector<16xf32>
    %swap3A_427 = vector.shape_cast %broadcast_in_dim3A_269 : vector<16xf32> to vector<16xf32>
    tpu.vector_store %arg6[%swap3A_424], %swap3A_427 {strides = array<i32>} : memref<128xf32, #tpu.memory_space<vmem>>, vector<16xf32>,
    %get3A_428 = arith.constant 96 : index
    %get3A_429 = tpu.vector_load %arg4[%get3A_428] {strides = array<i32>} : memref<128xi32, #tpu.memory_space<vmem>>, vector<16xi32>,
    %get3A_430 = vector.shape_cast %get3A_429 : vector<16xi32> to vector<16xi32>
    %max3A_431 = arith.constant 0 : i32
    %max3A_432 = vector.broadcast %max3A_431 : i32 to vector<16xi32>
    %max3A_433 = arith.maxsi %get3A_430, %max3A_432 : vector<16xi32>
    %min3A_434 = arith.constant 8191 : i32
    %min3A_435 = vector.broadcast %min3A_434 : i32 to vector<16xi32>
    %min3A_436 = arith.minsi %max3A_433, %min3A_435 : vector<16xi32>
    %mul3A_437 = arith.constant 128 : i32
    %mul3A_438 = arith.muli %add3A, %mul3A_437 : i32
    %add3A_439 = arith.constant 96 : i32
    %add3A_440 = arith.addi %mul3A_438, %add3A_439 : i32
    %add3A_441 = vector.broadcast %add3A_440 : i32 to vector<16xi32>
    %add3A_442 = arith.addi %add3A_441, %iota3A : vector<16xi32>
    %mul3A_443 = arith.constant 8192 : i32
    %mul3A_444 = vector.broadcast %mul3A_443 : i32 to vector<16xi32>
    %mul3A_445 = arith.muli %add3A_442, %mul3A_444 : vector<16xi32>
    %add3A_446 = arith.addi %mul3A_445, %min3A_436 : vector<16xi32>
    %swap3A_447 = arith.constant 96 : index
    %swap3A_448 = tpu.vector_load %arg7[%swap3A_447] {strides = array<i32>} : memref<128xi32, #tpu.memory_space<vmem>>, vector<16xi32>,
    %swap3A_449 = vector.shape_cast %swap3A_448 : vector<16xi32> to vector<16xi32>
    %swap3A_450 = vector.shape_cast %add3A_446 : vector<16xi32> to vector<16xi32>
    tpu.vector_store %arg7[%swap3A_447], %swap3A_450 {strides = array<i32>} : memref<128xi32, #tpu.memory_space<vmem>>, vector<16xi32>,
    %swap3A_451 = arith.constant 96 : index
    %swap3A_452 = tpu.vector_load %arg6[%swap3A_451] {strides = array<i32>} : memref<128xf32, #tpu.memory_space<vmem>>, vector<16xf32>,
    %swap3A_453 = vector.shape_cast %swap3A_452 : vector<16xf32> to vector<16xf32>
    %swap3A_454 = vector.shape_cast %broadcast_in_dim3A_269 : vector<16xf32> to vector<16xf32>
    tpu.vector_store %arg6[%swap3A_451], %swap3A_454 {strides = array<i32>} : memref<128xf32, #tpu.memory_space<vmem>>, vector<16xf32>,
    %get3A_455 = arith.constant 112 : index
    %get3A_456 = tpu.vector_load %arg4[%get3A_455] {strides = array<i32>} : memref<128xi32, #tpu.memory_space<vmem>>, vector<16xi32>,
    %get3A_457 = vector.shape_cast %get3A_456 : vector<16xi32> to vector<16xi32>
    %max3A_458 = arith.constant 0 : i32
    %max3A_459 = vector.broadcast %max3A_458 : i32 to vector<16xi32>
    %max3A_460 = arith.maxsi %get3A_457, %max3A_459 : vector<16xi32>
    %min3A_461 = arith.constant 8191 : i32
    %min3A_462 = vector.broadcast %min3A_461 : i32 to vector<16xi32>
    %min3A_463 = arith.minsi %max3A_460, %min3A_462 : vector<16xi32>
    %mul3A_464 = arith.constant 128 : i32
    %mul3A_465 = arith.muli %add3A, %mul3A_464 : i32
    %add3A_466 = arith.constant 112 : i32
    %add3A_467 = arith.addi %mul3A_465, %add3A_466 : i32
    %add3A_468 = vector.broadcast %add3A_467 : i32 to vector<16xi32>
    %add3A_469 = arith.addi %add3A_468, %iota3A : vector<16xi32>
    %mul3A_470 = arith.constant 8192 : i32
    %mul3A_471 = vector.broadcast %mul3A_470 : i32 to vector<16xi32>
    %mul3A_472 = arith.muli %add3A_469, %mul3A_471 : vector<16xi32>
    %add3A_473 = arith.addi %mul3A_472, %min3A_463 : vector<16xi32>
    %swap3A_474 = arith.constant 112 : index
    %swap3A_475 = tpu.vector_load %arg7[%swap3A_474] {strides = array<i32>} : memref<128xi32, #tpu.memory_space<vmem>>, vector<16xi32>,
    %swap3A_476 = vector.shape_cast %swap3A_475 : vector<16xi32> to vector<16xi32>
    %swap3A_477 = vector.shape_cast %add3A_473 : vector<16xi32> to vector<16xi32>
    tpu.vector_store %arg7[%swap3A_474], %swap3A_477 {strides = array<i32>} : memref<128xi32, #tpu.memory_space<vmem>>, vector<16xi32>,
    %swap3A_478 = arith.constant 112 : index
    %swap3A_479 = tpu.vector_load %arg6[%swap3A_478] {strides = array<i32>} : memref<128xf32, #tpu.memory_space<vmem>>, vector<16xf32>,
    %swap3A_480 = vector.shape_cast %swap3A_479 : vector<16xf32> to vector<16xf32>
    %swap3A_481 = vector.shape_cast %broadcast_in_dim3A_269 : vector<16xf32> to vector<16xf32>
    tpu.vector_store %arg6[%swap3A_478], %swap3A_481 {strides = array<i32>} : memref<128xf32, #tpu.memory_space<vmem>>, vector<16xf32>,
    %dma_wait3A = tpu.memref_slice %arg3[%add3A_14] : memref<33554432xf32, #tpu.memory_space<hbm>> -> memref<16384xf32, #tpu.memory_space<hbm>>
    %dma_wait3A_482 = tpu.memref_slice %arg3[%add3A_14] : memref<33554432xf32, #tpu.memory_space<hbm>> -> memref<16384xf32, #tpu.memory_space<hbm>>
    tpu.wait_dma2 semaphore(%arg8 : memref<!tpu.dma_semaphore, #tpu.memory_space<semaphore_mem>>) src(%arg5 : memref<16384xf32, #tpu.memory_space<vmem>>) dst(%dma_wait3A_482 : memref<16384xf32, #tpu.memory_space<hbm>>)
    %dma_wait3A_483 = tpu.memref_slice %arg3[%add3A_17] : memref<33554432xf32, #tpu.memory_space<hbm>> -> memref<16384xf32, #tpu.memory_space<hbm>>
    %dma_wait3A_484 = tpu.memref_slice %arg3[%add3A_17] : memref<33554432xf32, #tpu.memory_space<hbm>> -> memref<16384xf32, #tpu.memory_space<hbm>>
    tpu.wait_dma2 semaphore(%arg8 : memref<!tpu.dma_semaphore, #tpu.memory_space<semaphore_mem>>) src(%arg5 : memref<16384xf32, #tpu.memory_space<vmem>>) dst(%dma_wait3A_484 : memref<16384xf32, #tpu.memory_space<hbm>>)
    %dma_wait3A_485 = tpu.memref_slice %arg3[%add3A_21] : memref<33554432xf32, #tpu.memory_space<hbm>> -> memref<16384xf32, #tpu.memory_space<hbm>>
    %dma_wait3A_486 = tpu.memref_slice %arg3[%add3A_21] : memref<33554432xf32, #tpu.memory_space<hbm>> -> memref<16384xf32, #tpu.memory_space<hbm>>
    tpu.wait_dma2 semaphore(%arg8 : memref<!tpu.dma_semaphore, #tpu.memory_space<semaphore_mem>>) src(%arg5 : memref<16384xf32, #tpu.memory_space<vmem>>) dst(%dma_wait3A_486 : memref<16384xf32, #tpu.memory_space<hbm>>)
    %dma_wait3A_487 = tpu.memref_slice %arg3[%add3A_25] : memref<33554432xf32, #tpu.memory_space<hbm>> -> memref<16384xf32, #tpu.memory_space<hbm>>
    %dma_wait3A_488 = tpu.memref_slice %arg3[%add3A_25] : memref<33554432xf32, #tpu.memory_space<hbm>> -> memref<16384xf32, #tpu.memory_space<hbm>>
    tpu.wait_dma2 semaphore(%arg8 : memref<!tpu.dma_semaphore, #tpu.memory_space<semaphore_mem>>) src(%arg5 : memref<16384xf32, #tpu.memory_space<vmem>>) dst(%dma_wait3A_488 : memref<16384xf32, #tpu.memory_space<hbm>>)
    %dma_wait3A_489 = tpu.memref_slice %arg3[%add3A_29] : memref<33554432xf32, #tpu.memory_space<hbm>> -> memref<16384xf32, #tpu.memory_space<hbm>>
    %dma_wait3A_490 = tpu.memref_slice %arg3[%add3A_29] : memref<33554432xf32, #tpu.memory_space<hbm>> -> memref<16384xf32, #tpu.memory_space<hbm>>
    tpu.wait_dma2 semaphore(%arg8 : memref<!tpu.dma_semaphore, #tpu.memory_space<semaphore_mem>>) src(%arg5 : memref<16384xf32, #tpu.memory_space<vmem>>) dst(%dma_wait3A_490 : memref<16384xf32, #tpu.memory_space<hbm>>)
    %dma_wait3A_491 = tpu.memref_slice %arg3[%add3A_33] : memref<33554432xf32, #tpu.memory_space<hbm>> -> memref<16384xf32, #tpu.memory_space<hbm>>
    %dma_wait3A_492 = tpu.memref_slice %arg3[%add3A_33] : memref<33554432xf32, #tpu.memory_space<hbm>> -> memref<16384xf32, #tpu.memory_space<hbm>>
    tpu.wait_dma2 semaphore(%arg8 : memref<!tpu.dma_semaphore, #tpu.memory_space<semaphore_mem>>) src(%arg5 : memref<16384xf32, #tpu.memory_space<vmem>>) dst(%dma_wait3A_492 : memref<16384xf32, #tpu.memory_space<hbm>>)
    %dma_wait3A_493 = tpu.memref_slice %arg3[%add3A_37] : memref<33554432xf32, #tpu.memory_space<hbm>> -> memref<16384xf32, #tpu.memory_space<hbm>>
    %dma_wait3A_494 = tpu.memref_slice %arg3[%add3A_37] : memref<33554432xf32, #tpu.memory_space<hbm>> -> memref<16384xf32, #tpu.memory_space<hbm>>
    tpu.wait_dma2 semaphore(%arg8 : memref<!tpu.dma_semaphore, #tpu.memory_space<semaphore_mem>>) src(%arg5 : memref<16384xf32, #tpu.memory_space<vmem>>) dst(%dma_wait3A_494 : memref<16384xf32, #tpu.memory_space<hbm>>)
    %dma_wait3A_495 = tpu.memref_slice %arg3[%add3A_41] : memref<33554432xf32, #tpu.memory_space<hbm>> -> memref<16384xf32, #tpu.memory_space<hbm>>
    %dma_wait3A_496 = tpu.memref_slice %arg3[%add3A_41] : memref<33554432xf32, #tpu.memory_space<hbm>> -> memref<16384xf32, #tpu.memory_space<hbm>>
    tpu.wait_dma2 semaphore(%arg8 : memref<!tpu.dma_semaphore, #tpu.memory_space<semaphore_mem>>) src(%arg5 : memref<16384xf32, #tpu.memory_space<vmem>>) dst(%dma_wait3A_496 : memref<16384xf32, #tpu.memory_space<hbm>>)
    %dma_wait3A_497 = tpu.memref_slice %arg3[%add3A_45] : memref<33554432xf32, #tpu.memory_space<hbm>> -> memref<16384xf32, #tpu.memory_space<hbm>>
    %dma_wait3A_498 = tpu.memref_slice %arg3[%add3A_45] : memref<33554432xf32, #tpu.memory_space<hbm>> -> memref<16384xf32, #tpu.memory_space<hbm>>
    tpu.wait_dma2 semaphore(%arg8 : memref<!tpu.dma_semaphore, #tpu.memory_space<semaphore_mem>>) src(%arg5 : memref<16384xf32, #tpu.memory_space<vmem>>) dst(%dma_wait3A_498 : memref<16384xf32, #tpu.memory_space<hbm>>)
    %dma_wait3A_499 = tpu.memref_slice %arg3[%add3A_49] : memref<33554432xf32, #tpu.memory_space<hbm>> -> memref<16384xf32, #tpu.memory_space<hbm>>
    %dma_wait3A_500 = tpu.memref_slice %arg3[%add3A_49] : memref<33554432xf32, #tpu.memory_space<hbm>> -> memref<16384xf32, #tpu.memory_space<hbm>>
    tpu.wait_dma2 semaphore(%arg8 : memref<!tpu.dma_semaphore, #tpu.memory_space<semaphore_mem>>) src(%arg5 : memref<16384xf32, #tpu.memory_space<vmem>>) dst(%dma_wait3A_500 : memref<16384xf32, #tpu.memory_space<hbm>>)
    %dma_wait3A_501 = tpu.memref_slice %arg3[%add3A_53] : memref<33554432xf32, #tpu.memory_space<hbm>> -> memref<16384xf32, #tpu.memory_space<hbm>>
    %dma_wait3A_502 = tpu.memref_slice %arg3[%add3A_53] : memref<33554432xf32, #tpu.memory_space<hbm>> -> memref<16384xf32, #tpu.memory_space<hbm>>
    tpu.wait_dma2 semaphore(%arg8 : memref<!tpu.dma_semaphore, #tpu.memory_space<semaphore_mem>>) src(%arg5 : memref<16384xf32, #tpu.memory_space<vmem>>) dst(%dma_wait3A_502 : memref<16384xf32, #tpu.memory_space<hbm>>)
    %dma_wait3A_503 = tpu.memref_slice %arg3[%add3A_57] : memref<33554432xf32, #tpu.memory_space<hbm>> -> memref<16384xf32, #tpu.memory_space<hbm>>
    %dma_wait3A_504 = tpu.memref_slice %arg3[%add3A_57] : memref<33554432xf32, #tpu.memory_space<hbm>> -> memref<16384xf32, #tpu.memory_space<hbm>>
    tpu.wait_dma2 semaphore(%arg8 : memref<!tpu.dma_semaphore, #tpu.memory_space<semaphore_mem>>) src(%arg5 : memref<16384xf32, #tpu.memory_space<vmem>>) dst(%dma_wait3A_504 : memref<16384xf32, #tpu.memory_space<hbm>>)
    %dma_wait3A_505 = tpu.memref_slice %arg3[%add3A_61] : memref<33554432xf32, #tpu.memory_space<hbm>> -> memref<16384xf32, #tpu.memory_space<hbm>>
    %dma_wait3A_506 = tpu.memref_slice %arg3[%add3A_61] : memref<33554432xf32, #tpu.memory_space<hbm>> -> memref<16384xf32, #tpu.memory_space<hbm>>
    tpu.wait_dma2 semaphore(%arg8 : memref<!tpu.dma_semaphore, #tpu.memory_space<semaphore_mem>>) src(%arg5 : memref<16384xf32, #tpu.memory_space<vmem>>) dst(%dma_wait3A_506 : memref<16384xf32, #tpu.memory_space<hbm>>)
    %dma_wait3A_507 = tpu.memref_slice %arg3[%add3A_65] : memref<33554432xf32, #tpu.memory_space<hbm>> -> memref<16384xf32, #tpu.memory_space<hbm>>
    %dma_wait3A_508 = tpu.memref_slice %arg3[%add3A_65] : memref<33554432xf32, #tpu.memory_space<hbm>> -> memref<16384xf32, #tpu.memory_space<hbm>>
    tpu.wait_dma2 semaphore(%arg8 : memref<!tpu.dma_semaphore, #tpu.memory_space<semaphore_mem>>) src(%arg5 : memref<16384xf32, #tpu.memory_space<vmem>>) dst(%dma_wait3A_508 : memref<16384xf32, #tpu.memory_space<hbm>>)
    %dma_wait3A_509 = tpu.memref_slice %arg3[%add3A_69] : memref<33554432xf32, #tpu.memory_space<hbm>> -> memref<16384xf32, #tpu.memory_space<hbm>>
    %dma_wait3A_510 = tpu.memref_slice %arg3[%add3A_69] : memref<33554432xf32, #tpu.memory_space<hbm>> -> memref<16384xf32, #tpu.memory_space<hbm>>
    tpu.wait_dma2 semaphore(%arg8 : memref<!tpu.dma_semaphore, #tpu.memory_space<semaphore_mem>>) src(%arg5 : memref<16384xf32, #tpu.memory_space<vmem>>) dst(%dma_wait3A_510 : memref<16384xf32, #tpu.memory_space<hbm>>)
    %dma_wait3A_511 = tpu.memref_slice %arg3[%add3A_73] : memref<33554432xf32, #tpu.memory_space<hbm>> -> memref<16384xf32, #tpu.memory_space<hbm>>
    %dma_wait3A_512 = tpu.memref_slice %arg3[%add3A_73] : memref<33554432xf32, #tpu.memory_space<hbm>> -> memref<16384xf32, #tpu.memory_space<hbm>>
    tpu.wait_dma2 semaphore(%arg8 : memref<!tpu.dma_semaphore, #tpu.memory_space<semaphore_mem>>) src(%arg5 : memref<16384xf32, #tpu.memory_space<vmem>>) dst(%dma_wait3A_512 : memref<16384xf32, #tpu.memory_space<hbm>>)
    %dma_wait3A_513 = tpu.memref_slice %arg3[%add3A_77] : memref<33554432xf32, #tpu.memory_space<hbm>> -> memref<16384xf32, #tpu.memory_space<hbm>>
    %dma_wait3A_514 = tpu.memref_slice %arg3[%add3A_77] : memref<33554432xf32, #tpu.memory_space<hbm>> -> memref<16384xf32, #tpu.memory_space<hbm>>
    tpu.wait_dma2 semaphore(%arg8 : memref<!tpu.dma_semaphore, #tpu.memory_space<semaphore_mem>>) src(%arg5 : memref<16384xf32, #tpu.memory_space<vmem>>) dst(%dma_wait3A_514 : memref<16384xf32, #tpu.memory_space<hbm>>)
    %dma_wait3A_515 = tpu.memref_slice %arg3[%add3A_81] : memref<33554432xf32, #tpu.memory_space<hbm>> -> memref<16384xf32, #tpu.memory_space<hbm>>
    %dma_wait3A_516 = tpu.memref_slice %arg3[%add3A_81] : memref<33554432xf32, #tpu.memory_space<hbm>> -> memref<16384xf32, #tpu.memory_space<hbm>>
    tpu.wait_dma2 semaphore(%arg8 : memref<!tpu.dma_semaphore, #tpu.memory_space<semaphore_mem>>) src(%arg5 : memref<16384xf32, #tpu.memory_space<vmem>>) dst(%dma_wait3A_516 : memref<16384xf32, #tpu.memory_space<hbm>>)
    %dma_wait3A_517 = tpu.memref_slice %arg3[%add3A_85] : memref<33554432xf32, #tpu.memory_space<hbm>> -> memref<16384xf32, #tpu.memory_space<hbm>>
    %dma_wait3A_518 = tpu.memref_slice %arg3[%add3A_85] : memref<33554432xf32, #tpu.memory_space<hbm>> -> memref<16384xf32, #tpu.memory_space<hbm>>
    tpu.wait_dma2 semaphore(%arg8 : memref<!tpu.dma_semaphore, #tpu.memory_space<semaphore_mem>>) src(%arg5 : memref<16384xf32, #tpu.memory_space<vmem>>) dst(%dma_wait3A_518 : memref<16384xf32, #tpu.memory_space<hbm>>)
    %dma_wait3A_519 = tpu.memref_slice %arg3[%add3A_89] : memref<33554432xf32, #tpu.memory_space<hbm>> -> memref<16384xf32, #tpu.memory_space<hbm>>
    %dma_wait3A_520 = tpu.memref_slice %arg3[%add3A_89] : memref<33554432xf32, #tpu.memory_space<hbm>> -> memref<16384xf32, #tpu.memory_space<hbm>>
    tpu.wait_dma2 semaphore(%arg8 : memref<!tpu.dma_semaphore, #tpu.memory_space<semaphore_mem>>) src(%arg5 : memref<16384xf32, #tpu.memory_space<vmem>>) dst(%dma_wait3A_520 : memref<16384xf32, #tpu.memory_space<hbm>>)
    %dma_wait3A_521 = tpu.memref_slice %arg3[%add3A_93] : memref<33554432xf32, #tpu.memory_space<hbm>> -> memref<16384xf32, #tpu.memory_space<hbm>>
    %dma_wait3A_522 = tpu.memref_slice %arg3[%add3A_93] : memref<33554432xf32, #tpu.memory_space<hbm>> -> memref<16384xf32, #tpu.memory_space<hbm>>
    tpu.wait_dma2 semaphore(%arg8 : memref<!tpu.dma_semaphore, #tpu.memory_space<semaphore_mem>>) src(%arg5 : memref<16384xf32, #tpu.memory_space<vmem>>) dst(%dma_wait3A_522 : memref<16384xf32, #tpu.memory_space<hbm>>)
    %dma_wait3A_523 = tpu.memref_slice %arg3[%add3A_97] : memref<33554432xf32, #tpu.memory_space<hbm>> -> memref<16384xf32, #tpu.memory_space<hbm>>
    %dma_wait3A_524 = tpu.memref_slice %arg3[%add3A_97] : memref<33554432xf32, #tpu.memory_space<hbm>> -> memref<16384xf32, #tpu.memory_space<hbm>>
    tpu.wait_dma2 semaphore(%arg8 : memref<!tpu.dma_semaphore, #tpu.memory_space<semaphore_mem>>) src(%arg5 : memref<16384xf32, #tpu.memory_space<vmem>>) dst(%dma_wait3A_524 : memref<16384xf32, #tpu.memory_space<hbm>>)
    %dma_wait3A_525 = tpu.memref_slice %arg3[%add3A_101] : memref<33554432xf32, #tpu.memory_space<hbm>> -> memref<16384xf32, #tpu.memory_space<hbm>>
    %dma_wait3A_526 = tpu.memref_slice %arg3[%add3A_101] : memref<33554432xf32, #tpu.memory_space<hbm>> -> memref<16384xf32, #tpu.memory_space<hbm>>
    tpu.wait_dma2 semaphore(%arg8 : memref<!tpu.dma_semaphore, #tpu.memory_space<semaphore_mem>>) src(%arg5 : memref<16384xf32, #tpu.memory_space<vmem>>) dst(%dma_wait3A_526 : memref<16384xf32, #tpu.memory_space<hbm>>)
    %dma_wait3A_527 = tpu.memref_slice %arg3[%add3A_105] : memref<33554432xf32, #tpu.memory_space<hbm>> -> memref<16384xf32, #tpu.memory_space<hbm>>
    %dma_wait3A_528 = tpu.memref_slice %arg3[%add3A_105] : memref<33554432xf32, #tpu.memory_space<hbm>> -> memref<16384xf32, #tpu.memory_space<hbm>>
    tpu.wait_dma2 semaphore(%arg8 : memref<!tpu.dma_semaphore, #tpu.memory_space<semaphore_mem>>) src(%arg5 : memref<16384xf32, #tpu.memory_space<vmem>>) dst(%dma_wait3A_528 : memref<16384xf32, #tpu.memory_space<hbm>>)
    %dma_wait3A_529 = tpu.memref_slice %arg3[%add3A_109] : memref<33554432xf32, #tpu.memory_space<hbm>> -> memref<16384xf32, #tpu.memory_space<hbm>>
    %dma_wait3A_530 = tpu.memref_slice %arg3[%add3A_109] : memref<33554432xf32, #tpu.memory_space<hbm>> -> memref<16384xf32, #tpu.memory_space<hbm>>
    tpu.wait_dma2 semaphore(%arg8 : memref<!tpu.dma_semaphore, #tpu.memory_space<semaphore_mem>>) src(%arg5 : memref<16384xf32, #tpu.memory_space<vmem>>) dst(%dma_wait3A_530 : memref<16384xf32, #tpu.memory_space<hbm>>)
    %dma_wait3A_531 = tpu.memref_slice %arg3[%add3A_113] : memref<33554432xf32, #tpu.memory_space<hbm>> -> memref<16384xf32, #tpu.memory_space<hbm>>
    %dma_wait3A_532 = tpu.memref_slice %arg3[%add3A_113] : memref<33554432xf32, #tpu.memory_space<hbm>> -> memref<16384xf32, #tpu.memory_space<hbm>>
    tpu.wait_dma2 semaphore(%arg8 : memref<!tpu.dma_semaphore, #tpu.memory_space<semaphore_mem>>) src(%arg5 : memref<16384xf32, #tpu.memory_space<vmem>>) dst(%dma_wait3A_532 : memref<16384xf32, #tpu.memory_space<hbm>>)
    %dma_wait3A_533 = tpu.memref_slice %arg3[%add3A_117] : memref<33554432xf32, #tpu.memory_space<hbm>> -> memref<16384xf32, #tpu.memory_space<hbm>>
    %dma_wait3A_534 = tpu.memref_slice %arg3[%add3A_117] : memref<33554432xf32, #tpu.memory_space<hbm>> -> memref<16384xf32, #tpu.memory_space<hbm>>
    tpu.wait_dma2 semaphore(%arg8 : memref<!tpu.dma_semaphore, #tpu.memory_space<semaphore_mem>>) src(%arg5 : memref<16384xf32, #tpu.memory_space<vmem>>) dst(%dma_wait3A_534 : memref<16384xf32, #tpu.memory_space<hbm>>)
    %dma_wait3A_535 = tpu.memref_slice %arg3[%add3A_121] : memref<33554432xf32, #tpu.memory_space<hbm>> -> memref<16384xf32, #tpu.memory_space<hbm>>
    %dma_wait3A_536 = tpu.memref_slice %arg3[%add3A_121] : memref<33554432xf32, #tpu.memory_space<hbm>> -> memref<16384xf32, #tpu.memory_space<hbm>>
    tpu.wait_dma2 semaphore(%arg8 : memref<!tpu.dma_semaphore, #tpu.memory_space<semaphore_mem>>) src(%arg5 : memref<16384xf32, #tpu.memory_space<vmem>>) dst(%dma_wait3A_536 : memref<16384xf32, #tpu.memory_space<hbm>>)
    %dma_wait3A_537 = tpu.memref_slice %arg3[%add3A_125] : memref<33554432xf32, #tpu.memory_space<hbm>> -> memref<16384xf32, #tpu.memory_space<hbm>>
    %dma_wait3A_538 = tpu.memref_slice %arg3[%add3A_125] : memref<33554432xf32, #tpu.memory_space<hbm>> -> memref<16384xf32, #tpu.memory_space<hbm>>
    tpu.wait_dma2 semaphore(%arg8 : memref<!tpu.dma_semaphore, #tpu.memory_space<semaphore_mem>>) src(%arg5 : memref<16384xf32, #tpu.memory_space<vmem>>) dst(%dma_wait3A_538 : memref<16384xf32, #tpu.memory_space<hbm>>)
    %dma_wait3A_539 = tpu.memref_slice %arg3[%add3A_129] : memref<33554432xf32, #tpu.memory_space<hbm>> -> memref<16384xf32, #tpu.memory_space<hbm>>
    %dma_wait3A_540 = tpu.memref_slice %arg3[%add3A_129] : memref<33554432xf32, #tpu.memory_space<hbm>> -> memref<16384xf32, #tpu.memory_space<hbm>>
    tpu.wait_dma2 semaphore(%arg8 : memref<!tpu.dma_semaphore, #tpu.memory_space<semaphore_mem>>) src(%arg5 : memref<16384xf32, #tpu.memory_space<vmem>>) dst(%dma_wait3A_540 : memref<16384xf32, #tpu.memory_space<hbm>>)
    %dma_wait3A_541 = tpu.memref_slice %arg3[%add3A_133] : memref<33554432xf32, #tpu.memory_space<hbm>> -> memref<16384xf32, #tpu.memory_space<hbm>>
    %dma_wait3A_542 = tpu.memref_slice %arg3[%add3A_133] : memref<33554432xf32, #tpu.memory_space<hbm>> -> memref<16384xf32, #tpu.memory_space<hbm>>
    tpu.wait_dma2 semaphore(%arg8 : memref<!tpu.dma_semaphore, #tpu.memory_space<semaphore_mem>>) src(%arg5 : memref<16384xf32, #tpu.memory_space<vmem>>) dst(%dma_wait3A_542 : memref<16384xf32, #tpu.memory_space<hbm>>)
    %dma_wait3A_543 = tpu.memref_slice %arg3[%add3A_137] : memref<33554432xf32, #tpu.memory_space<hbm>> -> memref<16384xf32, #tpu.memory_space<hbm>>
    %dma_wait3A_544 = tpu.memref_slice %arg3[%add3A_137] : memref<33554432xf32, #tpu.memory_space<hbm>> -> memref<16384xf32, #tpu.memory_space<hbm>>
    tpu.wait_dma2 semaphore(%arg8 : memref<!tpu.dma_semaphore, #tpu.memory_space<semaphore_mem>>) src(%arg5 : memref<16384xf32, #tpu.memory_space<vmem>>) dst(%dma_wait3A_544 : memref<16384xf32, #tpu.memory_space<hbm>>)
    %dma_wait3A_545 = tpu.memref_slice %arg3[%add3A_141] : memref<33554432xf32, #tpu.memory_space<hbm>> -> memref<16384xf32, #tpu.memory_space<hbm>>
    %dma_wait3A_546 = tpu.memref_slice %arg3[%add3A_141] : memref<33554432xf32, #tpu.memory_space<hbm>> -> memref<16384xf32, #tpu.memory_space<hbm>>
    tpu.wait_dma2 semaphore(%arg8 : memref<!tpu.dma_semaphore, #tpu.memory_space<semaphore_mem>>) src(%arg5 : memref<16384xf32, #tpu.memory_space<vmem>>) dst(%dma_wait3A_546 : memref<16384xf32, #tpu.memory_space<hbm>>)
    %dma_wait3A_547 = tpu.memref_slice %arg3[%add3A_145] : memref<33554432xf32, #tpu.memory_space<hbm>> -> memref<16384xf32, #tpu.memory_space<hbm>>
    %dma_wait3A_548 = tpu.memref_slice %arg3[%add3A_145] : memref<33554432xf32, #tpu.memory_space<hbm>> -> memref<16384xf32, #tpu.memory_space<hbm>>
    tpu.wait_dma2 semaphore(%arg8 : memref<!tpu.dma_semaphore, #tpu.memory_space<semaphore_mem>>) src(%arg5 : memref<16384xf32, #tpu.memory_space<vmem>>) dst(%dma_wait3A_548 : memref<16384xf32, #tpu.memory_space<hbm>>)
    %dma_wait3A_549 = tpu.memref_slice %arg3[%add3A_149] : memref<33554432xf32, #tpu.memory_space<hbm>> -> memref<16384xf32, #tpu.memory_space<hbm>>
    %dma_wait3A_550 = tpu.memref_slice %arg3[%add3A_149] : memref<33554432xf32, #tpu.memory_space<hbm>> -> memref<16384xf32, #tpu.memory_space<hbm>>
    tpu.wait_dma2 semaphore(%arg8 : memref<!tpu.dma_semaphore, #tpu.memory_space<semaphore_mem>>) src(%arg5 : memref<16384xf32, #tpu.memory_space<vmem>>) dst(%dma_wait3A_550 : memref<16384xf32, #tpu.memory_space<hbm>>)
    %dma_wait3A_551 = tpu.memref_slice %arg3[%add3A_153] : memref<33554432xf32, #tpu.memory_space<hbm>> -> memref<16384xf32, #tpu.memory_space<hbm>>
    %dma_wait3A_552 = tpu.memref_slice %arg3[%add3A_153] : memref<33554432xf32, #tpu.memory_space<hbm>> -> memref<16384xf32, #tpu.memory_space<hbm>>
    tpu.wait_dma2 semaphore(%arg8 : memref<!tpu.dma_semaphore, #tpu.memory_space<semaphore_mem>>) src(%arg5 : memref<16384xf32, #tpu.memory_space<vmem>>) dst(%dma_wait3A_552 : memref<16384xf32, #tpu.memory_space<hbm>>)
    %dma_wait3A_553 = tpu.memref_slice %arg3[%add3A_157] : memref<33554432xf32, #tpu.memory_space<hbm>> -> memref<16384xf32, #tpu.memory_space<hbm>>
    %dma_wait3A_554 = tpu.memref_slice %arg3[%add3A_157] : memref<33554432xf32, #tpu.memory_space<hbm>> -> memref<16384xf32, #tpu.memory_space<hbm>>
    tpu.wait_dma2 semaphore(%arg8 : memref<!tpu.dma_semaphore, #tpu.memory_space<semaphore_mem>>) src(%arg5 : memref<16384xf32, #tpu.memory_space<vmem>>) dst(%dma_wait3A_554 : memref<16384xf32, #tpu.memory_space<hbm>>)
    %dma_wait3A_555 = tpu.memref_slice %arg3[%add3A_161] : memref<33554432xf32, #tpu.memory_space<hbm>> -> memref<16384xf32, #tpu.memory_space<hbm>>
    %dma_wait3A_556 = tpu.memref_slice %arg3[%add3A_161] : memref<33554432xf32, #tpu.memory_space<hbm>> -> memref<16384xf32, #tpu.memory_space<hbm>>
    tpu.wait_dma2 semaphore(%arg8 : memref<!tpu.dma_semaphore, #tpu.memory_space<semaphore_mem>>) src(%arg5 : memref<16384xf32, #tpu.memory_space<vmem>>) dst(%dma_wait3A_556 : memref<16384xf32, #tpu.memory_space<hbm>>)
    %dma_wait3A_557 = tpu.memref_slice %arg3[%add3A_165] : memref<33554432xf32, #tpu.memory_space<hbm>> -> memref<16384xf32, #tpu.memory_space<hbm>>
    %dma_wait3A_558 = tpu.memref_slice %arg3[%add3A_165] : memref<33554432xf32, #tpu.memory_space<hbm>> -> memref<16384xf32, #tpu.memory_space<hbm>>
    tpu.wait_dma2 semaphore(%arg8 : memref<!tpu.dma_semaphore, #tpu.memory_space<semaphore_mem>>) src(%arg5 : memref<16384xf32, #tpu.memory_space<vmem>>) dst(%dma_wait3A_558 : memref<16384xf32, #tpu.memory_space<hbm>>)
    %dma_wait3A_559 = tpu.memref_slice %arg3[%add3A_169] : memref<33554432xf32, #tpu.memory_space<hbm>> -> memref<16384xf32, #tpu.memory_space<hbm>>
    %dma_wait3A_560 = tpu.memref_slice %arg3[%add3A_169] : memref<33554432xf32, #tpu.memory_space<hbm>> -> memref<16384xf32, #tpu.memory_space<hbm>>
    tpu.wait_dma2 semaphore(%arg8 : memref<!tpu.dma_semaphore, #tpu.memory_space<semaphore_mem>>) src(%arg5 : memref<16384xf32, #tpu.memory_space<vmem>>) dst(%dma_wait3A_560 : memref<16384xf32, #tpu.memory_space<hbm>>)
    %dma_wait3A_561 = tpu.memref_slice %arg3[%add3A_173] : memref<33554432xf32, #tpu.memory_space<hbm>> -> memref<16384xf32, #tpu.memory_space<hbm>>
    %dma_wait3A_562 = tpu.memref_slice %arg3[%add3A_173] : memref<33554432xf32, #tpu.memory_space<hbm>> -> memref<16384xf32, #tpu.memory_space<hbm>>
    tpu.wait_dma2 semaphore(%arg8 : memref<!tpu.dma_semaphore, #tpu.memory_space<semaphore_mem>>) src(%arg5 : memref<16384xf32, #tpu.memory_space<vmem>>) dst(%dma_wait3A_562 : memref<16384xf32, #tpu.memory_space<hbm>>)
    %dma_wait3A_563 = tpu.memref_slice %arg3[%add3A_177] : memref<33554432xf32, #tpu.memory_space<hbm>> -> memref<16384xf32, #tpu.memory_space<hbm>>
    %dma_wait3A_564 = tpu.memref_slice %arg3[%add3A_177] : memref<33554432xf32, #tpu.memory_space<hbm>> -> memref<16384xf32, #tpu.memory_space<hbm>>
    tpu.wait_dma2 semaphore(%arg8 : memref<!tpu.dma_semaphore, #tpu.memory_space<semaphore_mem>>) src(%arg5 : memref<16384xf32, #tpu.memory_space<vmem>>) dst(%dma_wait3A_564 : memref<16384xf32, #tpu.memory_space<hbm>>)
    %dma_wait3A_565 = tpu.memref_slice %arg3[%add3A_181] : memref<33554432xf32, #tpu.memory_space<hbm>> -> memref<16384xf32, #tpu.memory_space<hbm>>
    %dma_wait3A_566 = tpu.memref_slice %arg3[%add3A_181] : memref<33554432xf32, #tpu.memory_space<hbm>> -> memref<16384xf32, #tpu.memory_space<hbm>>
    tpu.wait_dma2 semaphore(%arg8 : memref<!tpu.dma_semaphore, #tpu.memory_space<semaphore_mem>>) src(%arg5 : memref<16384xf32, #tpu.memory_space<vmem>>) dst(%dma_wait3A_566 : memref<16384xf32, #tpu.memory_space<hbm>>)
    %dma_wait3A_567 = tpu.memref_slice %arg3[%add3A_185] : memref<33554432xf32, #tpu.memory_space<hbm>> -> memref<16384xf32, #tpu.memory_space<hbm>>
    %dma_wait3A_568 = tpu.memref_slice %arg3[%add3A_185] : memref<33554432xf32, #tpu.memory_space<hbm>> -> memref<16384xf32, #tpu.memory_space<hbm>>
    tpu.wait_dma2 semaphore(%arg8 : memref<!tpu.dma_semaphore, #tpu.memory_space<semaphore_mem>>) src(%arg5 : memref<16384xf32, #tpu.memory_space<vmem>>) dst(%dma_wait3A_568 : memref<16384xf32, #tpu.memory_space<hbm>>)
    %dma_wait3A_569 = tpu.memref_slice %arg3[%add3A_189] : memref<33554432xf32, #tpu.memory_space<hbm>> -> memref<16384xf32, #tpu.memory_space<hbm>>
    %dma_wait3A_570 = tpu.memref_slice %arg3[%add3A_189] : memref<33554432xf32, #tpu.memory_space<hbm>> -> memref<16384xf32, #tpu.memory_space<hbm>>
    tpu.wait_dma2 semaphore(%arg8 : memref<!tpu.dma_semaphore, #tpu.memory_space<semaphore_mem>>) src(%arg5 : memref<16384xf32, #tpu.memory_space<vmem>>) dst(%dma_wait3A_570 : memref<16384xf32, #tpu.memory_space<hbm>>)
    %dma_wait3A_571 = tpu.memref_slice %arg3[%add3A_193] : memref<33554432xf32, #tpu.memory_space<hbm>> -> memref<16384xf32, #tpu.memory_space<hbm>>
    %dma_wait3A_572 = tpu.memref_slice %arg3[%add3A_193] : memref<33554432xf32, #tpu.memory_space<hbm>> -> memref<16384xf32, #tpu.memory_space<hbm>>
    tpu.wait_dma2 semaphore(%arg8 : memref<!tpu.dma_semaphore, #tpu.memory_space<semaphore_mem>>) src(%arg5 : memref<16384xf32, #tpu.memory_space<vmem>>) dst(%dma_wait3A_572 : memref<16384xf32, #tpu.memory_space<hbm>>)
    %dma_wait3A_573 = tpu.memref_slice %arg3[%add3A_197] : memref<33554432xf32, #tpu.memory_space<hbm>> -> memref<16384xf32, #tpu.memory_space<hbm>>
    %dma_wait3A_574 = tpu.memref_slice %arg3[%add3A_197] : memref<33554432xf32, #tpu.memory_space<hbm>> -> memref<16384xf32, #tpu.memory_space<hbm>>
    tpu.wait_dma2 semaphore(%arg8 : memref<!tpu.dma_semaphore, #tpu.memory_space<semaphore_mem>>) src(%arg5 : memref<16384xf32, #tpu.memory_space<vmem>>) dst(%dma_wait3A_574 : memref<16384xf32, #tpu.memory_space<hbm>>)
    %dma_wait3A_575 = tpu.memref_slice %arg3[%add3A_201] : memref<33554432xf32, #tpu.memory_space<hbm>> -> memref<16384xf32, #tpu.memory_space<hbm>>
    %dma_wait3A_576 = tpu.memref_slice %arg3[%add3A_201] : memref<33554432xf32, #tpu.memory_space<hbm>> -> memref<16384xf32, #tpu.memory_space<hbm>>
    tpu.wait_dma2 semaphore(%arg8 : memref<!tpu.dma_semaphore, #tpu.memory_space<semaphore_mem>>) src(%arg5 : memref<16384xf32, #tpu.memory_space<vmem>>) dst(%dma_wait3A_576 : memref<16384xf32, #tpu.memory_space<hbm>>)
    %dma_wait3A_577 = tpu.memref_slice %arg3[%add3A_205] : memref<33554432xf32, #tpu.memory_space<hbm>> -> memref<16384xf32, #tpu.memory_space<hbm>>
    %dma_wait3A_578 = tpu.memref_slice %arg3[%add3A_205] : memref<33554432xf32, #tpu.memory_space<hbm>> -> memref<16384xf32, #tpu.memory_space<hbm>>
    tpu.wait_dma2 semaphore(%arg8 : memref<!tpu.dma_semaphore, #tpu.memory_space<semaphore_mem>>) src(%arg5 : memref<16384xf32, #tpu.memory_space<vmem>>) dst(%dma_wait3A_578 : memref<16384xf32, #tpu.memory_space<hbm>>)
    %dma_wait3A_579 = tpu.memref_slice %arg3[%add3A_209] : memref<33554432xf32, #tpu.memory_space<hbm>> -> memref<16384xf32, #tpu.memory_space<hbm>>
    %dma_wait3A_580 = tpu.memref_slice %arg3[%add3A_209] : memref<33554432xf32, #tpu.memory_space<hbm>> -> memref<16384xf32, #tpu.memory_space<hbm>>
    tpu.wait_dma2 semaphore(%arg8 : memref<!tpu.dma_semaphore, #tpu.memory_space<semaphore_mem>>) src(%arg5 : memref<16384xf32, #tpu.memory_space<vmem>>) dst(%dma_wait3A_580 : memref<16384xf32, #tpu.memory_space<hbm>>)
    %dma_wait3A_581 = tpu.memref_slice %arg3[%add3A_213] : memref<33554432xf32, #tpu.memory_space<hbm>> -> memref<16384xf32, #tpu.memory_space<hbm>>
    %dma_wait3A_582 = tpu.memref_slice %arg3[%add3A_213] : memref<33554432xf32, #tpu.memory_space<hbm>> -> memref<16384xf32, #tpu.memory_space<hbm>>
    tpu.wait_dma2 semaphore(%arg8 : memref<!tpu.dma_semaphore, #tpu.memory_space<semaphore_mem>>) src(%arg5 : memref<16384xf32, #tpu.memory_space<vmem>>) dst(%dma_wait3A_582 : memref<16384xf32, #tpu.memory_space<hbm>>)
    %dma_wait3A_583 = tpu.memref_slice %arg3[%add3A_217] : memref<33554432xf32, #tpu.memory_space<hbm>> -> memref<16384xf32, #tpu.memory_space<hbm>>
    %dma_wait3A_584 = tpu.memref_slice %arg3[%add3A_217] : memref<33554432xf32, #tpu.memory_space<hbm>> -> memref<16384xf32, #tpu.memory_space<hbm>>
    tpu.wait_dma2 semaphore(%arg8 : memref<!tpu.dma_semaphore, #tpu.memory_space<semaphore_mem>>) src(%arg5 : memref<16384xf32, #tpu.memory_space<vmem>>) dst(%dma_wait3A_584 : memref<16384xf32, #tpu.memory_space<hbm>>)
    %dma_wait3A_585 = tpu.memref_slice %arg3[%add3A_221] : memref<33554432xf32, #tpu.memory_space<hbm>> -> memref<16384xf32, #tpu.memory_space<hbm>>
    %dma_wait3A_586 = tpu.memref_slice %arg3[%add3A_221] : memref<33554432xf32, #tpu.memory_space<hbm>> -> memref<16384xf32, #tpu.memory_space<hbm>>
    tpu.wait_dma2 semaphore(%arg8 : memref<!tpu.dma_semaphore, #tpu.memory_space<semaphore_mem>>) src(%arg5 : memref<16384xf32, #tpu.memory_space<vmem>>) dst(%dma_wait3A_586 : memref<16384xf32, #tpu.memory_space<hbm>>)
    %dma_wait3A_587 = tpu.memref_slice %arg3[%add3A_225] : memref<33554432xf32, #tpu.memory_space<hbm>> -> memref<16384xf32, #tpu.memory_space<hbm>>
    %dma_wait3A_588 = tpu.memref_slice %arg3[%add3A_225] : memref<33554432xf32, #tpu.memory_space<hbm>> -> memref<16384xf32, #tpu.memory_space<hbm>>
    tpu.wait_dma2 semaphore(%arg8 : memref<!tpu.dma_semaphore, #tpu.memory_space<semaphore_mem>>) src(%arg5 : memref<16384xf32, #tpu.memory_space<vmem>>) dst(%dma_wait3A_588 : memref<16384xf32, #tpu.memory_space<hbm>>)
    %dma_wait3A_589 = tpu.memref_slice %arg3[%add3A_229] : memref<33554432xf32, #tpu.memory_space<hbm>> -> memref<16384xf32, #tpu.memory_space<hbm>>
    %dma_wait3A_590 = tpu.memref_slice %arg3[%add3A_229] : memref<33554432xf32, #tpu.memory_space<hbm>> -> memref<16384xf32, #tpu.memory_space<hbm>>
    tpu.wait_dma2 semaphore(%arg8 : memref<!tpu.dma_semaphore, #tpu.memory_space<semaphore_mem>>) src(%arg5 : memref<16384xf32, #tpu.memory_space<vmem>>) dst(%dma_wait3A_590 : memref<16384xf32, #tpu.memory_space<hbm>>)
    %dma_wait3A_591 = tpu.memref_slice %arg3[%add3A_233] : memref<33554432xf32, #tpu.memory_space<hbm>> -> memref<16384xf32, #tpu.memory_space<hbm>>
    %dma_wait3A_592 = tpu.memref_slice %arg3[%add3A_233] : memref<33554432xf32, #tpu.memory_space<hbm>> -> memref<16384xf32, #tpu.memory_space<hbm>>
    tpu.wait_dma2 semaphore(%arg8 : memref<!tpu.dma_semaphore, #tpu.memory_space<semaphore_mem>>) src(%arg5 : memref<16384xf32, #tpu.memory_space<vmem>>) dst(%dma_wait3A_592 : memref<16384xf32, #tpu.memory_space<hbm>>)
    %dma_wait3A_593 = tpu.memref_slice %arg3[%add3A_237] : memref<33554432xf32, #tpu.memory_space<hbm>> -> memref<16384xf32, #tpu.memory_space<hbm>>
    %dma_wait3A_594 = tpu.memref_slice %arg3[%add3A_237] : memref<33554432xf32, #tpu.memory_space<hbm>> -> memref<16384xf32, #tpu.memory_space<hbm>>
    tpu.wait_dma2 semaphore(%arg8 : memref<!tpu.dma_semaphore, #tpu.memory_space<semaphore_mem>>) src(%arg5 : memref<16384xf32, #tpu.memory_space<vmem>>) dst(%dma_wait3A_594 : memref<16384xf32, #tpu.memory_space<hbm>>)
    %dma_wait3A_595 = tpu.memref_slice %arg3[%add3A_241] : memref<33554432xf32, #tpu.memory_space<hbm>> -> memref<16384xf32, #tpu.memory_space<hbm>>
    %dma_wait3A_596 = tpu.memref_slice %arg3[%add3A_241] : memref<33554432xf32, #tpu.memory_space<hbm>> -> memref<16384xf32, #tpu.memory_space<hbm>>
    tpu.wait_dma2 semaphore(%arg8 : memref<!tpu.dma_semaphore, #tpu.memory_space<semaphore_mem>>) src(%arg5 : memref<16384xf32, #tpu.memory_space<vmem>>) dst(%dma_wait3A_596 : memref<16384xf32, #tpu.memory_space<hbm>>)
    %dma_wait3A_597 = tpu.memref_slice %arg3[%add3A_245] : memref<33554432xf32, #tpu.memory_space<hbm>> -> memref<16384xf32, #tpu.memory_space<hbm>>
    %dma_wait3A_598 = tpu.memref_slice %arg3[%add3A_245] : memref<33554432xf32, #tpu.memory_space<hbm>> -> memref<16384xf32, #tpu.memory_space<hbm>>
    tpu.wait_dma2 semaphore(%arg8 : memref<!tpu.dma_semaphore, #tpu.memory_space<semaphore_mem>>) src(%arg5 : memref<16384xf32, #tpu.memory_space<vmem>>) dst(%dma_wait3A_598 : memref<16384xf32, #tpu.memory_space<hbm>>)
    %dma_wait3A_599 = tpu.memref_slice %arg3[%add3A_249] : memref<33554432xf32, #tpu.memory_space<hbm>> -> memref<16384xf32, #tpu.memory_space<hbm>>
    %dma_wait3A_600 = tpu.memref_slice %arg3[%add3A_249] : memref<33554432xf32, #tpu.memory_space<hbm>> -> memref<16384xf32, #tpu.memory_space<hbm>>
    tpu.wait_dma2 semaphore(%arg8 : memref<!tpu.dma_semaphore, #tpu.memory_space<semaphore_mem>>) src(%arg5 : memref<16384xf32, #tpu.memory_space<vmem>>) dst(%dma_wait3A_600 : memref<16384xf32, #tpu.memory_space<hbm>>)
    %dma_wait3A_601 = tpu.memref_slice %arg3[%add3A_253] : memref<33554432xf32, #tpu.memory_space<hbm>> -> memref<16384xf32, #tpu.memory_space<hbm>>
    %dma_wait3A_602 = tpu.memref_slice %arg3[%add3A_253] : memref<33554432xf32, #tpu.memory_space<hbm>> -> memref<16384xf32, #tpu.memory_space<hbm>>
    tpu.wait_dma2 semaphore(%arg8 : memref<!tpu.dma_semaphore, #tpu.memory_space<semaphore_mem>>) src(%arg5 : memref<16384xf32, #tpu.memory_space<vmem>>) dst(%dma_wait3A_602 : memref<16384xf32, #tpu.memory_space<hbm>>)
    %dma_wait3A_603 = tpu.memref_slice %arg3[%add3A_257] : memref<33554432xf32, #tpu.memory_space<hbm>> -> memref<16384xf32, #tpu.memory_space<hbm>>
    %dma_wait3A_604 = tpu.memref_slice %arg3[%add3A_257] : memref<33554432xf32, #tpu.memory_space<hbm>> -> memref<16384xf32, #tpu.memory_space<hbm>>
    tpu.wait_dma2 semaphore(%arg8 : memref<!tpu.dma_semaphore, #tpu.memory_space<semaphore_mem>>) src(%arg5 : memref<16384xf32, #tpu.memory_space<vmem>>) dst(%dma_wait3A_604 : memref<16384xf32, #tpu.memory_space<hbm>>)
    %dma_wait3A_605 = tpu.memref_slice %arg3[%add3A_261] : memref<33554432xf32, #tpu.memory_space<hbm>> -> memref<16384xf32, #tpu.memory_space<hbm>>
    %dma_wait3A_606 = tpu.memref_slice %arg3[%add3A_261] : memref<33554432xf32, #tpu.memory_space<hbm>> -> memref<16384xf32, #tpu.memory_space<hbm>>
    tpu.wait_dma2 semaphore(%arg8 : memref<!tpu.dma_semaphore, #tpu.memory_space<semaphore_mem>>) src(%arg5 : memref<16384xf32, #tpu.memory_space<vmem>>) dst(%dma_wait3A_606 : memref<16384xf32, #tpu.memory_space<hbm>>)
    %dma_wait3A_607 = tpu.memref_slice %arg3[%add3A_265] : memref<33554432xf32, #tpu.memory_space<hbm>> -> memref<16384xf32, #tpu.memory_space<hbm>>
    %dma_wait3A_608 = tpu.memref_slice %arg3[%add3A_265] : memref<33554432xf32, #tpu.memory_space<hbm>> -> memref<16384xf32, #tpu.memory_space<hbm>>
    tpu.wait_dma2 semaphore(%arg8 : memref<!tpu.dma_semaphore, #tpu.memory_space<semaphore_mem>>) src(%arg5 : memref<16384xf32, #tpu.memory_space<vmem>>) dst(%dma_wait3A_608 : memref<16384xf32, #tpu.memory_space<hbm>>)
    %dma_start3A_609 = arith.constant 0 : i32
    %dma_start3A_610 = tpu.memref_slice %arg3[%dma_start3A_609] : memref<33554432xf32, #tpu.memory_space<hbm>> -> memref<33554432xf32, #tpu.memory_space<hbm>>
    tpu.enqueue_indirect_dma source(%arg6 : memref<128xf32, #tpu.memory_space<vmem>>) target(%dma_start3A_610 : memref<33554432xf32, #tpu.memory_space<hbm>>) offsets(%arg7 : memref<128xi32, #tpu.memory_space<vmem>>) semaphore(%arg9 : memref<!tpu.dma_semaphore, #tpu.memory_space<semaphore_mem>>)
    %dma_wait3A_611 = arith.constant 0 : i32
    %dma_wait3A_612 = tpu.memref_slice %arg3[%dma_wait3A_611] : memref<33554432xf32, #tpu.memory_space<hbm>> -> memref<33554432xf32, #tpu.memory_space<hbm>>
    tpu.wait_indirect_dma semaphore(%arg9 : memref<!tpu.dma_semaphore, #tpu.memory_space<semaphore_mem>>) src(%arg6 : memref<128xf32, #tpu.memory_space<vmem>>) dst(%dma_wait3A_612 : memref<33554432xf32, #tpu.memory_space<hbm>>)
    return
  }
}

</mosaic_0001>

<sc_bundles>
// kernel: _one_hot.3.cloned.1.call-start
scs
__scs_entry_jumppad:
0x0: {  	(pc) =	sbr.rel $0x88, $3  }
0x1: {  	(tag) =	ssettag $0x0;
	lr =	simm.s32 $0x1  }
0x2: {  	[smem:$0x3FA0] =	sst lr;
	_ =	strace $0xD0000000  }
0x3: {  	_ = 	snop  }
0x4: {  	_ = 	snop  }
0x5: {  	_ = 	snop  }
0x6: {  	_ = 	snop  }
0x7: {  	_ = 	snop  }
__scs_overlays_trampoline_lowered:
0x8: {  	[smem:$0x3FAF] =	sst s0  }
0x9: {  	[smem:$0x3FB0] =	sst s1  }
0xa: {  	[smem:$0x3FB1] =	sst s2  }
0xb: {  	[smem:$0x3FB2] =	sst s3  }
0xc: {  	[smem:$0x3FB3] =	sst s4  }
0xd: {  	[smem:$0x3FB4] =	sst s5  }
0xe: {  	[smem:$0x3FB5] =	sst s6  }
0xf: {  	[smem:$0x3FB6] =	sst s7  }
0x10: {  	[smem:$0x3FB7] =	sst s8  }
0x11: {  	[smem:$0x3FB8] =	sst s9;
	s0 =	simm.s32 @!p0 $0x0  }
0x12: {  	s1 =	sld [smem:$0x3F9E];
	s0 =	simm.s32 @p0 $0x1  }
0x13: {  	[smem:$0x3FB9] =	sst s0;
	s0 =	simm.s32 @!p1 $0x0  }
0x14: {  	s2 =	sld [smem:$0x3F9D];
	s0 =	simm.s32 @p1 $0x1  }
0x15: {  	[smem:$0x3FBA] =	sst s0;
	s0 =	simm.s32 @!p2 $0x0  }
0x16: {  	s3 =	sld [smem:$0x3FDB];
	s0 =	simm.s32 @p2 $0x1  }
0x17: {  	s4 =	simm.s32 $0x1BF5;
	[smem:$0x3FBC] =	sst s0  }
0x18: {  	s0 =	sld [smem:$0x3F9F];
	_ =	swait.ge [sflag:s4], $0x0  }
0x19: {  	s7 =	sld [smem:$0x3FA0]  }
0x1a: {  	s8 =	sadd.s32 $0xFFFFE003, lr  }
0x1b: {  	s9 =	sadd.s32 $0xFFFFFEF7, lr;
	s5 =	simm.s32 $0xFFFFFFFF;
	p2 =	slt.u32 s8, $0xFFFFF086  }
0x1c: {  	p1 =	slt.u32 s9, $0xF7A;
	s5 =	simm.s32 @!p2 $0x0  }
0x1d: {  	s5 =	simm.s32 @p1 $0x1;
	p0 =	seq.s32 s7, s2  }
0x1e: {  	s7 =	smul.u32 @!p0 $0xF7A, s2;
	p2 =	seq.s32 @!p0 s5, $0x0  }
0x1f: {  	s9 =	smul.u32 $0xF7A, s1;
	s8 =	simm.s32 @!p0 $0x1BF5;
	p2 =	por !p2, p0  }
0x20: {  	[sflag:s8] =	ssyncset.s32 @!p0 $0xFFFFF086;
	s6 =	sadd.s32 @!p0 s3, s7;
	s7 =	simm.s32 @!p0 $0x108  }
0x21: {  	s3 =	sadd.s32 s3, s9;
	s6 =	sadd.s32 @!p0 $0x88, s6;
	s7 =	simm.s32 @p2 $0x1082  }
0x22: {  	[simem:s7], [sflag:s8] =	dma.local @!p0 [hbm:s6], $0xF7A  }
0x23: {  	s9 =	sor.u32 $0xD0000000, s2;
	s6 =	simm.s32 $0x108;
	_ =	swait.ge @!p0 [sflag:s8], $0x0  }
0x24: {  	s3 =	sadd.s32 $0x88, s3;
	s6 =	simm.s32 @!p1 $0x1082;
	[sflag:s4] =	ssyncset.s32 $0xFFFFF086  }
0x25: {  	[simem:s6], [sflag:s4] =	dma.local [hbm:s3], $0xF7A  }
0x26: {  	[smem:$0x3FA0] =	sst s1;
	(tag) =	ssettag s2;
	_ =	strace s9  }
0x27: {  	s1 =	sld [smem:$0x3FB0]  }
0x28: {  	s2 =	sld [smem:$0x3FB1]  }
0x29: {  	s4 =	sld [smem:$0x3FB3]  }
0x2a: {  	p0 =	seq.s32 s5, $0x0;
	s5 =	sld [smem:$0x3FB4]  }
0x2b: {  	s6 =	sld [smem:$0x3FB5]  }
0x2c: {  	s7 =	sld [smem:$0x3FB6]  }
0x2d: {  	s3 =	simm.s32 $0x108;
	s8 =	sld [smem:$0x3FB7]  }
0x2e: {  	s3 =	simm.s32 @!p0 $0x1082;
	s9 =	sld [smem:$0x3FB8]  }
0x2f: {  	lr =	sadd.s32 s0, s3;
	s0 =	sld [smem:$0x3FAF]  }
0x30: {  	s3 =	sld [smem:$0x3FB2]  }
0x31: {  	[smem:$0x3FBB] =	sst s10  }
0x32: {  	s10 =	sld [smem:$0x3FB9];
	_ =	sdelay $0x3  }
0x33: {  	p0 =	seq.s32 s10, $0x1;
	s10 =	sld [smem:$0x3FBB];
	_ =	sdelay $0x3  }
0x34: {  	[smem:$0x3FBB] =	sst s10  }
0x35: {  	s10 =	sld [smem:$0x3FBA];
	_ =	sdelay $0x3  }
0x36: {  	p1 =	seq.s32 s10, $0x1;
	s10 =	sld [smem:$0x3FBB];
	_ =	sdelay $0x3  }
0x37: {  	[smem:$0x3FBB] =	sst s10  }
0x38: {  	s10 =	sld [smem:$0x3FBC]  }
0x39: {  	_ = 	snop;
	(pc) =	sbr.ind lr, $3  }
0x3a: {  	_ = 	snop  }
0x3b: {  	_ = 	snop  }
0x3c: {  	p2 =	seq.s32 s10, $0x1;
	s10 =	sld [smem:$0x3FBB]  }
0x3d: {  	_ =	shalt  }
0x3e: {  	_ =	shalt  }
0x3f: {  	_ =	shalt  }
0x40: {  	_ =	shalt  }
0x41: {  	_ =	shalt  }
0x42: {  	_ =	shalt  }
0x43: {  	_ =	shalt  }
0x44: {  	_ =	shalt  }
0x45: {  	_ =	shalt  }
0x46: {  	_ =	shalt  }
0x47: {  	_ =	shalt  }
0x48: {  	_ =	shalt  }
0x49: {  	_ =	shalt  }
0x4a: {  	_ =	shalt  }
0x4b: {  	_ =	shalt  }
0x4c: {  	_ =	shalt  }
0x4d: {  	_ =	shalt  }
0x4e: {  	_ =	shalt  }
0x4f: {  	_ =	shalt  }
0x50: {  	_ =	shalt  }
0x51: {  	_ =	shalt  }
0x52: {  	_ =	shalt  }
0x53: {  	_ =	shalt  }
0x54: {  	_ =	shalt  }
0x55: {  	_ =	shalt  }
0x56: {  	_ =	shalt  }
0x57: {  	_ =	shalt  }
0x58: {  	_ =	shalt  }
0x59: {  	_ =	shalt  }
0x5a: {  	_ =	shalt  }
0x5b: {  	_ =	shalt  }
0x5c: {  	_ =	shalt  }
0x5d: {  	_ =	shalt  }
0x5e: {  	_ =	shalt  }
0x5f: {  	_ =	shalt  }
0x60: {  	_ =	shalt  }
0x61: {  	_ =	shalt  }
0x62: {  	_ =	shalt  }
0x63: {  	_ =	shalt  }
0x64: {  	_ =	shalt  }
0x65: {  	_ =	shalt  }
0x66: {  	_ =	shalt  }
0x67: {  	_ =	shalt  }
0x68: {  	_ =	shalt  }
0x69: {  	_ =	shalt  }
0x6a: {  	_ =	shalt  }
0x6b: {  	_ =	shalt  }
0x6c: {  	_ =	shalt  }
0x6d: {  	_ =	shalt  }
0x6e: {  	_ =	shalt  }
0x6f: {  	_ =	shalt  }
0x70: {  	_ =	shalt  }
0x71: {  	_ =	shalt  }
0x72: {  	_ =	shalt  }
0x73: {  	_ =	shalt  }
0x74: {  	_ =	shalt  }
0x75: {  	_ =	shalt  }
0x76: {  	_ =	shalt  }
0x77: {  	_ =	shalt  }
0x78: {  	_ =	shalt  }
0x79: {  	_ =	shalt  }
0x7a: {  	_ =	shalt  }
0x7b: {  	_ =	shalt  }
0x7c: {  	_ =	shalt  }
0x7d: {  	_ =	shalt  }
0x7e: {  	_ =	shalt  }
0x7f: {  	_ =	shalt  }
0x80: {  	_ =	shalt  }
0x81: {  	_ =	shalt  }
0x82: {  	_ =	shalt  }
0x83: {  	_ =	shalt  }
0x84: {  	_ =	shalt  }
0x85: {  	_ =	shalt  }
0x86: {  	_ =	shalt  }
0x87: {  	_ =	shalt  }
.Lfunc_end0:
.L_simem_size_0:
called_computation_lowered:
.L_overlay_start_0:
0x88: {  	s2 =	sld [smem:$0x3FD9]  }
0x89: {  	s3 =	sld [smem:$0x3FFE];
	_ =	sdelay $0x1  }
0x8a: {  	s1 =	srdreg.scid  }
0x8b: {  	s0 =	sand.u32 $0x1, s1  }
0x8c: {  	s17 =	sshll.u32 s0, $0xA;
	s2 =	sadd.s32 s3, s2  }
0x8d: {  	s2 =	sadd.s32 s2, s17  }
0x8e: {  	[smem:$0x3FC7] =	sst s2  }
0x8f: {  	_ = 	snop  }
0x90: {  	s2 =	sld [smem:$0x3FC9];
	(tm) =	ssettm $0x1  }
0x91: {  	s18 =	sld [smem:$0x3FFB];
	_ =	sdelay $0x3  }
0x92: {  	_ =	strace s18  }
0x93: {  	s3 =	sld [smem:$0x3FFC];
	_ =	sdelay $0x3  }
0x94: {  	_ =	strace s3  }
0x95: {  	s3 =	sld [smem:$0x3FFD];
	_ =	sdelay $0x3  }
0x96: {  	_ =	strace s3  }
0x97: {  	_ =	strace $0x8FFFFFFF  }
0x98: {  	s19 =	sld [smem:$0x3FDB];
	_ =	sdelay $0x1  }
0x99: {  	s4 =	simm.s32 $_scs_section_size  }
0x9a: {  	s5 =	simm.s32 $_size__tile_overlayer_lowered;
	s6 =	simm.s32 $_tile_overlayer_lowered  }
0x9b: {  	s22 =	simm.s32 $0x1BFF;
	s21 =	sshll.u32 s6, $0x1;
	s3 =	sadd.s32 s4, s19  }
0x9c: {  	s7 =	simm.s32 $0x0;
	s20 =	sshll.u32 s5, $0x1;
	s5 =	sadd.s32 s21, s3  }
0x9d: {  	[timem:s7], [sflag:s22] =	dma.local [hbm:s5], s20  }
0x9e: {  	_ =	swait.ge [sflag:s22], s20  }
0x9f: {  	s4 =	ssub.s32 $0x0, s20;
	[sflag:s22] =	ssyncset.done $0x0  }
0xa0: {  	[sflag:s22] =	ssyncadd.s32 s4;
	_ =	sdelay $0x1  }
0xa1: {  	s23 =	simm.s32 $0x1B8B  }
0xa2: {  	_ =	swait.ge [sflag:s23], $0x1  }
0xa3: {  	[sflag:s23] =	ssyncset.done $0x0  }
0xa4: {  	s25 =	simm.s32 $0x1B8E;
	s24 =	sld [smem:$0x3FFE];
	[sflag:s23] =	ssyncadd.s32 $0xFFFFFFFF  }
0xa5: {  	s26 =	simm.s32 $execute0_lowered;
	[smem:$0x3FD2] =	sst s25  }
0xa6: {  	s5 =	sshll.u32 s26, $0x1;
	_ =	strace $0x80000046;
	[dreg:$0x1] =	wrdreg $0xFFFFFFFF  }
0xa7: {  	s28 =	simm.s32 $_size_execute0_lowered;
	s3 =	sadd.s32 s3, s5;
	[dreg:$0x0] =	wrdreg $0x0  }
0xa8: {  	s5 =	sshll.u32 s28, $0x1;
	[dreg:$0x2] =	wrdreg s3  }
0xa9: {  	[dreg:$0x3] =	wrdreg s5  }
0xaa: {  	[dreg:$0x4] =	wrdreg $0xC0  }
0xab: {  	_ =	task [dreg:s7], $0x5FFFF  }
0xac: {  	[dreg:$0x1] =	wrdreg $0xFFFFFFFF  }
0xad: {  	[dreg:$0x0] =	wrdreg $0x60  }
0xae: {  	[dreg:$0x2] =	wrdreg s2  }
0xaf: {  	[dreg:$0x3] =	wrdreg s24  }
0xb0: {  	[dreg:$0x4] =	wrdreg $0x9  }
0xb1: {  	_ =	task.clear_ibuf [dreg:s7], $0x5FFFF;
	_ =	strace $0x90000046  }
0xb2: {  	s29 =	simm.s32 $0x9;
	_ =	strace $0x80000048  }
0xb3: {  	_ =	swait.ge [sflag:s29], $0x1  }
0xb4: {  	[sflag:s29] =	ssyncadd.s32 $0xFFFFFFFF  }
0xb5: {  	_ =	strace $0x90000048  }
0xb6: {  	_ =	sfence  }
0xb7: {  	s30 =	sld [smem:$0x0];
	_ =	sdelay $0x2  }
0xb8: {  	s31 =	sshll.u32 s1, $0xD;
	s1 =	sshrl.u32 s1, $0x2  }
0xb9: {  	s3 =	sand.u32 $0x4000, s31;
	s1 =	sadd.s32 s1, s30  }
0xba: {  	s0 =	sor.u32 s3, s0;
	s1 =	sshll.u32 s1, $0x11  }
0xbb: {  	s0 =	sor.u32 s1, s0  }
0xbc: {  	s0 =	sadd.s32 $0x8F2B, s0  }
0xbd: {  	[sflag:s0] =	ssyncadd.remote.s32 $0x1  }
0xbe: {  	_ =	sfence.sel $0xFFFF  }
0xbf: {  	[dreg:$0x0] =	wrdreg $0xFFFFFFFF;
	(pc) =	sbr.abs _section_cstart, $3  }
0xc0: {  	[dreg:$0x1] =	wrdreg $0xFFFFFFFF  }
0xc1: {  	_ =	task.clear_ibuf [dreg:s7], $0x2FFFF;
	_ =	strace $0x9FFFFFFF  }
0xc2: {  	(tm) =	ssettm $0x7FFFFFFF  }
0xc3: {  	_ =	shalt  }
tec
execute0_lowered:
.L_overlay_start_1:
0x0: {  	(tag) =	ssettag $0x1  }
0x1: {  	s0 =	rddreg [dreg:$0x0]  }
0x2: {  	s1 =	rddreg [dreg:$0x1]  }
0x3: {  	s2 =	simm.s32 $0x0;
	s3 =	srdreg.scid;
	s5 =	stileid.u32  }
0x4: {  	[smem:$0x7FF] =	sst s2;
	s3 =	sand.u32 $0x1, s3;
	s5 =	sshll.u32 s5, $0x1  }
0x5: {  	s6 =	sadd.s32 $0x400, s1;
	s4 =	ssub.s32 $0x2, s3;
	s3 =	sor.u32 s3, s5  }
0x6: {  	_ =	strace $0x80000047;
	s20 =	sshll.u32 s3, $0x4;
	s5 =	sshll.u32 s3, $0x11  }
0x7: {  	[dreg:$0x3] =	wrdreg s6;
	s0 =	sadd.s32 s0, s20;
	s5 =	sadd.s32 s6, s5  }
0x8: {  	[dreg:$0x4] =	wrdreg s0;
	s21 =	sadd.s32 $0x800, s5  }
0x9: {  	s22 =	sadd.s32 $0x1000, s5;
	[dreg:$0x5] =	wrdreg s21  }
0xa: {  	s23 =	sadd.s32 $0x1800, s5;
	[dreg:$0x6] =	wrdreg s22  }
0xb: {  	s24 =	sadd.s32 $0x2000, s5;
	[dreg:$0x7] =	wrdreg s23  }
0xc: {  	s25 =	sadd.s32 $0x2800, s5;
	[dreg:$0x8] =	wrdreg s24  }
0xd: {  	s19 =	sshrl.u32 s4, $0x1;
	s26 =	sadd.s32 $0x3000, s5;
	[dreg:$0x9] =	wrdreg s25  }
0xe: {  	s1 =	ssub.s32 s4, s19;
	s4 =	sadd.s32 $0x3800, s5;
	[dreg:$0xa] =	wrdreg s26  }
0xf: {  	s6 =	sadd.s32 $0x4000, s5;
	[dreg:$0xb] =	wrdreg s4  }
0x10: {  	s7 =	sadd.s32 $0x4800, s5;
	[dreg:$0xc] =	wrdreg s6  }
0x11: {  	s8 =	sadd.s32 $0x5000, s5;
	[dreg:$0xd] =	wrdreg s7  }
0x12: {  	s9 =	sadd.s32 $0x5800, s5;
	[dreg:$0xe] =	wrdreg s8  }
0x13: {  	s10 =	sadd.s32 $0x6000, s5;
	[dreg:$0xf] =	wrdreg s9  }
0x14: {  	s11 =	sadd.s32 $0x6800, s5;
	[dreg:$0x10] =	wrdreg s10  }
0x15: {  	s12 =	sadd.s32 $0x7000, s5;
	[dreg:$0x11] =	wrdreg s11  }
0x16: {  	s13 =	sadd.s32 $0x7800, s5;
	[dreg:$0x12] =	wrdreg s12  }
0x17: {  	s14 =	sadd.s32 $0x8000, s5;
	[dreg:$0x13] =	wrdreg s13  }
0x18: {  	s15 =	sadd.s32 $0x8800, s5;
	[dreg:$0x14] =	wrdreg s14  }
0x19: {  	s16 =	sadd.s32 $0x9000, s5;
	[dreg:$0x15] =	wrdreg s15  }
0x1a: {  	s17 =	smax.u32 s1, $0x1;
	[dreg:$0x16] =	wrdreg s16  }
0x1b: {  	s18 =	sadd.s32 $0x9800, s5;
	[dreg:$0x17] =	wrdreg s17  }
0x1c: {  	s19 =	sadd.s32 $0xA000, s5;
	[dreg:$0x18] =	wrdreg s18  }
0x1d: {  	s20 =	sadd.s32 $0xA800, s5;
	[dreg:$0x19] =	wrdreg s19  }
0x1e: {  	s1 =	sadd.s32 $0xE000, s5;
	[dreg:$0x1a] =	wrdreg s20  }
0x1f: {  	s21 =	sadd.s32 $0xB000, s5;
	[smem:$0x7EF] =	sst s1  }
0x20: {  	s22 =	sadd.s32 $0xB800, s5;
	[dreg:$0x1b] =	wrdreg s21  }
0x21: {  	s23 =	sadd.s32 $0xC000, s5;
	[dreg:$0x1c] =	wrdreg s22  }
0x22: {  	s24 =	sadd.s32 $0xC800, s5;
	[dreg:$0x1d] =	wrdreg s23  }
0x23: {  	s25 =	sadd.s32 $0xD000, s5;
	[dreg:$0x1e] =	wrdreg s24  }
0x24: {  	s26 =	sadd.s32 $0xD800, s5;
	[dreg:$0x1f] =	wrdreg s25  }
0x25: {  	s4 =	sadd.s32 $0xE800, s5;
	[smem:$0x7EE] =	sst s26  }
0x26: {  	s6 =	sadd.s32 $0xF000, s5;
	[smem:$0x7F0] =	sst s4  }
0x27: {  	s3 =	sshll.u32 s3, $0x7;
	s7 =	sadd.s32 $0xF800, s5;
	[smem:$0x7F1] =	sst s6  }
0x28: {  	s28 =	sadd.s32 $0x19000, s5;
	s8 =	sadd.s32 $0x10000, s5;
	[smem:$0x7F2] =	sst s7  }
0x29: {  	s29 =	sadd.s32 $0x19800, s5;
	s9 =	sadd.s32 $0x10800, s5;
	[smem:$0x7F3] =	sst s8  }
0x2a: {  	s30 =	sadd.s32 $0x1A000, s5;
	s10 =	sadd.s32 $0x11000, s5;
	[smem:$0x7F4] =	sst s9  }
0x2b: {  	s31 =	sadd.s32 $0x1A800, s5;
	s11 =	sadd.s32 $0x11800, s5;
	[smem:$0x7F5] =	sst s10  }
0x2c: {  	s0 =	sadd.s32 $0x1B000, s5;
	s12 =	sadd.s32 $0x12000, s5;
	[smem:$0x7F6] =	sst s11  }
0x2d: {  	s13 =	sadd.s32 $0x12800, s5;
	s14 =	sadd.s32 $0x13000, s5;
	[smem:$0x7F7] =	sst s12  }
0x2e: {  	s15 =	sadd.s32 $0x13800, s5;
	s16 =	sadd.s32 $0x14000, s5;
	[smem:$0x7F8] =	sst s13  }
0x2f: {  	s17 =	sor.u32 $0x10, s3;
	s18 =	sor.u32 $0x20, s3;
	[smem:$0x7F9] =	sst s14  }
0x30: {  	v3 =	vlaneseq.u32;
	s19 =	sor.u32 $0x30, s3;
	s20 =	sadd.s32 $0x15800, s5;
	[smem:$0x7FA] =	sst s15  }
0x31: {  	v7 =	vmul.u32 $0x2000, v3;
	v0 =	vmov s3;
	s1 =	sadd.s32 $0x1B800, s5;
	[smem:$0x7FB] =	sst s16;
	s24 =	sor.u32 $0x40, s3  }
0x32: {  	v0 =	vshll.u32 v0, $0xD;
	s7 =	sor.u32 $0x50, s3;
	s8 =	sor.u32 $0x60, s3;
	s9 =	sor.u32 $0x70, s3  }
0x33: {  	v0 =	vor.u32 v7, v0;
	s25 =	sadd.s32 $0x14800, s5;
	s26 =	sadd.s32 $0x15000, s5;
	v1 =	vmov s17;
	v2 =	vmov s18;
	s21 =	sadd.s32 $0x16000, s5  }
0x34: {  	s22 =	sadd.s32 $0x16800, s5;
	s23 =	sadd.s32 $0x17000, s5;
	v4 =	vmov s19;
	s4 =	sadd.s32 $0x1C000, s5;
	v5 =	vmov s24;
	v6 =	vmov s7  }
0x35: {  	s6 =	sadd.s32 $0x1C800, s5;
	s10 =	sadd.s32 $0x1E800, s5;
	s11 =	sadd.s32 $0x1F000, s5;
	v8 =	vmov s8;
	v9 =	vmov s9;
	v1 =	vshll.u32 v1, $0xD  }
0x36: {  	s3 =	sadd.s32 $0x1F800, s5;
	s12 =	simm.s32 $0x3;
	s13 =	simm.s32 $0x80;
	v2 =	vshll.u32 v2, $0xD;
	v3 =	vshll.u32 v4, $0xD;
	v1 =	vor.u32 v7, v1  }
0x37: {  	s14 =	simm.s32 $0x1;
	s15 =	simm.s32 $0x2;
	[smem:$0x7FC] =	sst s25;
	v2 =	vor.u32 v7, v2;
	v3 =	vor.u32 v7, v3;
	v4 =	vshll.u32 v5, $0xD  }
0x38: {  	s16 =	simm.s32 $0x0;
	s19 =	simm.s32 $0x4080;
	[smem:$0x7FD] =	sst s26;
	v5 =	vshll.u32 v6, $0xD;
	v6 =	vshll.u32 v8, $0xD;
	v8 =	vshll.u32 v9, $0xD  }
0x39: {  	s24 =	sadd.s32 $0x17800, s5;
	s25 =	sadd.s32 $0x18000, s5;
	s26 =	sadd.s32 $0x18800, s5;
	v9 =	vimm.f32 $1.000000000e+00;
	v4 =	vor.u32 v7, v4;
	v5 =	vor.u32 v7, v5  }
0x3a: {  	s7 =	sadd.s32 $0x1D000, s5;
	s8 =	sadd.s32 $0x1D800, s5;
	s9 =	sadd.s32 $0x1E000, s5;
	v6 =	vor.u32 v7, v6;
	v7 =	vor.u32 v7, v8;
	v8 =	vimm.f32 $0.0e+00  }
.LBB2_1:
0x3b: {  	s17 =	rddreg [dreg:$0x4]  }
0x3c: {  	[tilespmem:s2], [sflag:$0x3] =	stream.linear.gather [hbm4b:s17+s2], $0x80, $0x38;
	[tilespmem:$0x4180] =	vst v63  }
0x3d: {  	_ =	swait.ge [sflag:s12], $0x80  }
0x3e: {  	[sflag:s12] =	ssyncset.done $0x0  }
0x3f: {  	s18 =	simm.s32 $0x200;
	s17 =	simm.s32 $0x0;
	[sflag:s12] =	ssyncadd.s32 $0xFFFFFF80  }
.LBB2_2:
0x40: {  	p0 =	sne.s32 s18, $0xFE00;
	[tilespmem:s17+$0xF0] =	vst v8  }
0x41: {  	[tilespmem:s17+$0x80] =	vst v8  }
0x42: {  	[tilespmem:s17+$0x90] =	vst v8  }
.Ltmp0:
0x43: {  	[tilespmem:s17+$0xA0] =	vst v8;
	(pc) =	sbr.rel @p0 .LBB2_2-.Ltmp0, $4  }
0x44: {  	[tilespmem:s17+$0xB0] =	vst v8  }
0x45: {  	[tilespmem:s17+$0xC0] =	vst v8  }
0x46: {  	[tilespmem:s17+$0xD0] =	vst v8  }
0x47: {  	[tilespmem:s17+$0xE0] =	vst v8;
	s17 =	sshra.s32 s18, $0x2;
	s18 =	sadd.s32 $0x200, s18  }
0x48: {  	[tilespmem:s17+$0xF0] =	vst v8  }
0x49: {  	[tilespmem:s17+$0x80] =	vst v8  }
0x4a: {  	[tilespmem:s17+$0x90] =	vst v8  }
0x4b: {  	[tilespmem:s17+$0xA0] =	vst v8  }
0x4c: {  	[tilespmem:s17+$0xB0] =	vst v8  }
0x4d: {  	[tilespmem:s17+$0xC0] =	vst v8  }
0x4e: {  	[tilespmem:s17+$0xD0] =	vst v8  }
0x4f: {  	[tilespmem:s17+$0xE0] =	vst v8  }
0x50: {  	[hbm4b:s5+s2] =	stream.linear.scatter [tilespmem:s13], [sflag:$0x1], $0x4000, $0x38;
	[tilespmem:$0x4180] =	vst v63  }
0x51: {  	s18 =	rddreg [dreg:$0x5]  }
0x52: {  	[hbm4b:s18+s2] =	stream.linear.scatter [tilespmem:s13], [sflag:$0x1], $0x4000, $0x38;
	[tilespmem:$0x4180] =	vst v63  }
0x53: {  	s18 =	rddreg [dreg:$0x6]  }
0x54: {  	[hbm4b:s18+s2] =	stream.linear.scatter [tilespmem:s13], [sflag:$0x1], $0x4000, $0x38;
	[tilespmem:$0x4180] =	vst v63  }
0x55: {  	s18 =	rddreg [dreg:$0x7]  }
0x56: {  	[hbm4b:s18+s2] =	stream.linear.scatter [tilespmem:s13], [sflag:$0x1], $0x4000, $0x38;
	[tilespmem:$0x4180] =	vst v63  }
0x57: {  	s18 =	rddreg [dreg:$0x8]  }
0x58: {  	[hbm4b:s18+s2] =	stream.linear.scatter [tilespmem:s13], [sflag:$0x1], $0x4000, $0x38;
	[tilespmem:$0x4180] =	vst v63  }
0x59: {  	s18 =	rddreg [dreg:$0x9]  }
0x5a: {  	[hbm4b:s18+s2] =	stream.linear.scatter [tilespmem:s13], [sflag:$0x1], $0x4000, $0x38;
	[tilespmem:$0x4180] =	vst v63  }
0x5b: {  	s18 =	rddreg [dreg:$0xa]  }
0x5c: {  	[hbm4b:s18+s2] =	stream.linear.scatter [tilespmem:s13], [sflag:$0x1], $0x4000, $0x38;
	[tilespmem:$0x4180] =	vst v63  }
0x5d: {  	s18 =	rddreg [dreg:$0xb]  }
0x5e: {  	[hbm4b:s18+s2] =	stream.linear.scatter [tilespmem:s13], [sflag:$0x1], $0x4000, $0x38;
	[tilespmem:$0x4180] =	vst v63  }
0x5f: {  	s18 =	rddreg [dreg:$0xc]  }
0x60: {  	[hbm4b:s18+s2] =	stream.linear.scatter [tilespmem:s13], [sflag:$0x1], $0x4000, $0x38;
	[tilespmem:$0x4180] =	vst v63  }
0x61: {  	s18 =	rddreg [dreg:$0xd]  }
0x62: {  	[hbm4b:s18+s2] =	stream.linear.scatter [tilespmem:s13], [sflag:$0x1], $0x4000, $0x38;
	[tilespmem:$0x4180] =	vst v63  }
0x63: {  	s18 =	rddreg [dreg:$0xe]  }
0x64: {  	[hbm4b:s18+s2] =	stream.linear.scatter [tilespmem:s13], [sflag:$0x1], $0x4000, $0x38;
	[tilespmem:$0x4180] =	vst v63  }
0x65: {  	s18 =	rddreg [dreg:$0xf]  }
0x66: {  	[hbm4b:s18+s2] =	stream.linear.scatter [tilespmem:s13], [sflag:$0x1], $0x4000, $0x38;
	[tilespmem:$0x4180] =	vst v63  }
0x67: {  	s18 =	rddreg [dreg:$0x10]  }
0x68: {  	[hbm4b:s18+s2] =	stream.linear.scatter [tilespmem:s13], [sflag:$0x1], $0x4000, $0x38;
	[tilespmem:$0x4180] =	vst v63  }
0x69: {  	s18 =	rddreg [dreg:$0x11]  }
0x6a: {  	[hbm4b:s18+s2] =	stream.linear.scatter [tilespmem:s13], [sflag:$0x1], $0x4000, $0x38;
	[tilespmem:$0x4180] =	vst v63  }
0x6b: {  	s18 =	rddreg [dreg:$0x12]  }
0x6c: {  	[hbm4b:s18+s2] =	stream.linear.scatter [tilespmem:s13], [sflag:$0x1], $0x4000, $0x38;
	[tilespmem:$0x4180] =	vst v63  }
0x6d: {  	s18 =	rddreg [dreg:$0x13]  }
0x6e: {  	[hbm4b:s18+s2] =	stream.linear.scatter [tilespmem:s13], [sflag:$0x1], $0x4000, $0x38;
	[tilespmem:$0x4180] =	vst v63  }
0x6f: {  	s18 =	rddreg [dreg:$0x14]  }
0x70: {  	[hbm4b:s18+s2] =	stream.linear.scatter [tilespmem:s13], [sflag:$0x1], $0x4000, $0x38;
	[tilespmem:$0x4180] =	vst v63  }
0x71: {  	s18 =	rddreg [dreg:$0x15]  }
0x72: {  	[hbm4b:s18+s2] =	stream.linear.scatter [tilespmem:s13], [sflag:$0x1], $0x4000, $0x38;
	[tilespmem:$0x4180] =	vst v63  }
0x73: {  	s18 =	rddreg [dreg:$0x16]  }
0x74: {  	[hbm4b:s18+s2] =	stream.linear.scatter [tilespmem:s13], [sflag:$0x1], $0x4000, $0x38;
	[tilespmem:$0x4180] =	vst v63  }
0x75: {  	s18 =	rddreg [dreg:$0x18]  }
0x76: {  	[hbm4b:s18+s2] =	stream.linear.scatter [tilespmem:s13], [sflag:$0x1], $0x4000, $0x38;
	[tilespmem:$0x4180] =	vst v63  }
0x77: {  	s18 =	rddreg [dreg:$0x19]  }
0x78: {  	[hbm4b:s18+s2] =	stream.linear.scatter [tilespmem:s13], [sflag:$0x1], $0x4000, $0x38;
	[tilespmem:$0x4180] =	vst v63  }
0x79: {  	s18 =	rddreg [dreg:$0x1a]  }
0x7a: {  	[hbm4b:s18+s2] =	stream.linear.scatter [tilespmem:s13], [sflag:$0x1], $0x4000, $0x38;
	[tilespmem:$0x4180] =	vst v63  }
0x7b: {  	s18 =	rddreg [dreg:$0x1b]  }
0x7c: {  	[hbm4b:s18+s2] =	stream.linear.scatter [tilespmem:s13], [sflag:$0x1], $0x4000, $0x38;
	[tilespmem:$0x4180] =	vst v63  }
0x7d: {  	s18 =	rddreg [dreg:$0x1c]  }
0x7e: {  	[hbm4b:s18+s2] =	stream.linear.scatter [tilespmem:s13], [sflag:$0x1], $0x4000, $0x38;
	[tilespmem:$0x4180] =	vst v63  }
0x7f: {  	s18 =	rddreg [dreg:$0x1d]  }
0x80: {  	[hbm4b:s18+s2] =	stream.linear.scatter [tilespmem:s13], [sflag:$0x1], $0x4000, $0x38;
	[tilespmem:$0x4180] =	vst v63  }
0x81: {  	s18 =	rddreg [dreg:$0x1e]  }
0x82: {  	[hbm4b:s18+s2] =	stream.linear.scatter [tilespmem:s13], [sflag:$0x1], $0x4000, $0x38;
	[tilespmem:$0x4180] =	vst v63  }
0x83: {  	s18 =	rddreg [dreg:$0x1f]  }
0x84: {  	[hbm4b:s18+s2] =	stream.linear.scatter [tilespmem:s13], [sflag:$0x1], $0x4000, $0x38;
	[tilespmem:$0x4180] =	vst v63  }
0x85: {  	s18 =	sld [smem:$0x7EE];
	_ =	sdelay $0x2  }
0x86: {  	[hbm4b:s18+s2] =	stream.linear.scatter [tilespmem:s13], [sflag:$0x1], $0x4000, $0x38;
	[tilespmem:$0x4180] =	vst v63  }
0x87: {  	s18 =	sld [smem:$0x7EF];
	_ =	sdelay $0x2  }
0x88: {  	[hbm4b:s18+s2] =	stream.linear.scatter [tilespmem:s13], [sflag:$0x1], $0x4000, $0x38;
	[tilespmem:$0x4180] =	vst v63  }
0x89: {  	s18 =	sld [smem:$0x7F0];
	_ =	sdelay $0x2  }
0x8a: {  	[hbm4b:s18+s2] =	stream.linear.scatter [tilespmem:s13], [sflag:$0x1], $0x4000, $0x38;
	[tilespmem:$0x4180] =	vst v63  }
0x8b: {  	s18 =	sld [smem:$0x7F1];
	_ =	sdelay $0x2  }
0x8c: {  	[hbm4b:s18+s2] =	stream.linear.scatter [tilespmem:s13], [sflag:$0x1], $0x4000, $0x38;
	[tilespmem:$0x4180] =	vst v63  }
0x8d: {  	s18 =	sld [smem:$0x7F2];
	_ =	sdelay $0x2  }
0x8e: {  	[hbm4b:s18+s2] =	stream.linear.scatter [tilespmem:s13], [sflag:$0x1], $0x4000, $0x38;
	[tilespmem:$0x4180] =	vst v63  }
0x8f: {  	s18 =	sld [smem:$0x7F3];
	_ =	sdelay $0x2  }
0x90: {  	[hbm4b:s18+s2] =	stream.linear.scatter [tilespmem:s13], [sflag:$0x1], $0x4000, $0x38;
	[tilespmem:$0x4180] =	vst v63  }
0x91: {  	s18 =	sld [smem:$0x7F4];
	_ =	sdelay $0x2  }
0x92: {  	[hbm4b:s18+s2] =	stream.linear.scatter [tilespmem:s13], [sflag:$0x1], $0x4000, $0x38;
	[tilespmem:$0x4180] =	vst v63  }
0x93: {  	s18 =	sld [smem:$0x7F5];
	_ =	sdelay $0x2  }
0x94: {  	[hbm4b:s18+s2] =	stream.linear.scatter [tilespmem:s13], [sflag:$0x1], $0x4000, $0x38;
	[tilespmem:$0x4180] =	vst v63  }
0x95: {  	s18 =	sld [smem:$0x7F6];
	_ =	sdelay $0x2  }
0x96: {  	[hbm4b:s18+s2] =	stream.linear.scatter [tilespmem:s13], [sflag:$0x1], $0x4000, $0x38;
	[tilespmem:$0x4180] =	vst v63  }
0x97: {  	s18 =	sld [smem:$0x7F7];
	_ =	sdelay $0x2  }
0x98: {  	[hbm4b:s18+s2] =	stream.linear.scatter [tilespmem:s13], [sflag:$0x1], $0x4000, $0x38;
	[tilespmem:$0x4180] =	vst v63  }
0x99: {  	s18 =	sld [smem:$0x7F8];
	_ =	sdelay $0x2  }
0x9a: {  	[hbm4b:s18+s2] =	stream.linear.scatter [tilespmem:s13], [sflag:$0x1], $0x4000, $0x38;
	[tilespmem:$0x4180] =	vst v63  }
0x9b: {  	s18 =	sld [smem:$0x7F9];
	_ =	sdelay $0x2  }
0x9c: {  	[hbm4b:s18+s2] =	stream.linear.scatter [tilespmem:s13], [sflag:$0x1], $0x4000, $0x38;
	[tilespmem:$0x4180] =	vst v63  }
0x9d: {  	s18 =	sld [smem:$0x7FA];
	_ =	sdelay $0x2  }
0x9e: {  	[hbm4b:s18+s2] =	stream.linear.scatter [tilespmem:s13], [sflag:$0x1], $0x4000, $0x38;
	[tilespmem:$0x4180] =	vst v63  }
0x9f: {  	s18 =	sld [smem:$0x7FB];
	_ =	sdelay $0x2  }
0xa0: {  	[hbm4b:s18+s2] =	stream.linear.scatter [tilespmem:s13], [sflag:$0x1], $0x4000, $0x38;
	[tilespmem:$0x4180] =	vst v63  }
0xa1: {  	s18 =	sld [smem:$0x7FC];
	_ =	sdelay $0x2  }
0xa2: {  	[hbm4b:s18+s2] =	stream.linear.scatter [tilespmem:s13], [sflag:$0x1], $0x4000, $0x38;
	[tilespmem:$0x4180] =	vst v63  }
0xa3: {  	s18 =	sld [smem:$0x7FD];
	_ =	sdelay $0x2  }
0xa4: {  	[hbm4b:s18+s2] =	stream.linear.scatter [tilespmem:s13], [sflag:$0x1], $0x4000, $0x38;
	[tilespmem:$0x4180] =	vst v63  }
0xa5: {  	_ = 	snop  }
0xa6: {  	[hbm4b:s20+s2] =	stream.linear.scatter [tilespmem:s13], [sflag:$0x1], $0x4000, $0x38;
	[tilespmem:$0x4180] =	vst v63  }
0xa7: {  	_ = 	snop  }
0xa8: {  	[hbm4b:s21+s2] =	stream.linear.scatter [tilespmem:s13], [sflag:$0x1], $0x4000, $0x38;
	[tilespmem:$0x4180] =	vst v63  }
0xa9: {  	_ = 	snop  }
0xaa: {  	[hbm4b:s22+s2] =	stream.linear.scatter [tilespmem:s13], [sflag:$0x1], $0x4000, $0x38;
	[tilespmem:$0x4180] =	vst v63  }
0xab: {  	_ = 	snop  }
0xac: {  	[hbm4b:s23+s2] =	stream.linear.scatter [tilespmem:s13], [sflag:$0x1], $0x4000, $0x38;
	[tilespmem:$0x4180] =	vst v63  }
0xad: {  	_ = 	snop  }
0xae: {  	[hbm4b:s24+s2] =	stream.linear.scatter [tilespmem:s13], [sflag:$0x1], $0x4000, $0x38;
	[tilespmem:$0x4180] =	vst v63  }
0xaf: {  	_ = 	snop  }
0xb0: {  	[hbm4b:s25+s2] =	stream.linear.scatter [tilespmem:s13], [sflag:$0x1], $0x4000, $0x38;
	[tilespmem:$0x4180] =	vst v63  }
0xb1: {  	_ = 	snop  }
0xb2: {  	[hbm4b:s26+s2] =	stream.linear.scatter [tilespmem:s13], [sflag:$0x1], $0x4000, $0x38;
	[tilespmem:$0x4180] =	vst v63  }
0xb3: {  	_ = 	snop  }
0xb4: {  	[hbm4b:s28+s2] =	stream.linear.scatter [tilespmem:s13], [sflag:$0x1], $0x4000, $0x38;
	[tilespmem:$0x4180] =	vst v63  }
0xb5: {  	_ = 	snop  }
0xb6: {  	[hbm4b:s29+s2] =	stream.linear.scatter [tilespmem:s13], [sflag:$0x1], $0x4000, $0x38;
	[tilespmem:$0x4180] =	vst v63  }
0xb7: {  	_ = 	snop  }
0xb8: {  	[hbm4b:s30+s2] =	stream.linear.scatter [tilespmem:s13], [sflag:$0x1], $0x4000, $0x38;
	[tilespmem:$0x4180] =	vst v63  }
0xb9: {  	_ = 	snop  }
0xba: {  	[hbm4b:s31+s2] =	stream.linear.scatter [tilespmem:s13], [sflag:$0x1], $0x4000, $0x38;
	[tilespmem:$0x4180] =	vst v63  }
0xbb: {  	_ = 	snop  }
0xbc: {  	[hbm4b:s0+s2] =	stream.linear.scatter [tilespmem:s13], [sflag:$0x1], $0x4000, $0x38;
	[tilespmem:$0x4180] =	vst v63  }
0xbd: {  	_ = 	snop  }
0xbe: {  	[hbm4b:s1+s2] =	stream.linear.scatter [tilespmem:s13], [sflag:$0x1], $0x4000, $0x38;
	[tilespmem:$0x4180] =	vst v63  }
0xbf: {  	_ = 	snop  }
0xc0: {  	[hbm4b:s4+s2] =	stream.linear.scatter [tilespmem:s13], [sflag:$0x1], $0x4000, $0x38;
	[tilespmem:$0x4180] =	vst v63  }
0xc1: {  	_ = 	snop  }
0xc2: {  	[hbm4b:s6+s2] =	stream.linear.scatter [tilespmem:s13], [sflag:$0x1], $0x4000, $0x38;
	[tilespmem:$0x4180] =	vst v63  }
0xc3: {  	_ = 	snop  }
0xc4: {  	[hbm4b:s7+s2] =	stream.linear.scatter [tilespmem:s13], [sflag:$0x1], $0x4000, $0x38;
	[tilespmem:$0x4180] =	vst v63  }
0xc5: {  	_ = 	snop  }
0xc6: {  	[hbm4b:s8+s2] =	stream.linear.scatter [tilespmem:s13], [sflag:$0x1], $0x4000, $0x38;
	[tilespmem:$0x4180] =	vst v63  }
0xc7: {  	_ = 	snop  }
0xc8: {  	[hbm4b:s9+s2] =	stream.linear.scatter [tilespmem:s13], [sflag:$0x1], $0x4000, $0x38;
	[tilespmem:$0x4180] =	vst v63  }
0xc9: {  	_ = 	snop  }
0xca: {  	[hbm4b:s10+s2] =	stream.linear.scatter [tilespmem:s13], [sflag:$0x1], $0x4000, $0x38;
	[tilespmem:$0x4180] =	vst v63  }
0xcb: {  	_ = 	snop  }
0xcc: {  	[hbm4b:s11+s2] =	stream.linear.scatter [tilespmem:s13], [sflag:$0x1], $0x4000, $0x38;
	[tilespmem:$0x4180] =	vst v63  }
0xcd: {  	_ = 	snop  }
0xce: {  	[hbm4b:s3+s2] =	stream.linear.scatter [tilespmem:s13], [sflag:$0x1], $0x4000, $0x38;
	[tilespmem:$0x4180] =	vst v63  }
0xcf: {  	v10 =	vld [tilespmem:$0x0]  }
0xd0: {  	v11 =	vld [tilespmem:$0x10]  }
0xd1: {  	v12 =	vld [tilespmem:$0x20]  }
0xd2: {  	v13 =	vld [tilespmem:$0x30]  }
0xd3: {  	v14 =	vld [tilespmem:$0x40]  }
0xd4: {  	v15 =	vld [tilespmem:$0x50]  }
0xd5: {  	v16 =	vld [tilespmem:$0x60];
	_ =	sdelay $0x1  }
0xd6: {  	vm0 =	vgt.s32 v10, $0x0  }
0xd7: {  	vm10 =	vgt.s32 v11, $0x0;
	vm1 =	vgt.s32 v12, $0x0;
	vm11 =	vgt.s32 v13, $0x0  }
0xd8: {  	vm12 =	vgt.s32 v14, $0x0;
	vm13 =	vgt.s32 v15, $0x0;
	v10 =	vnsel vm0, $0x0, v10  }
0xd9: {  	vm14 =	vgt.s32 v16, $0x0;
	v11 =	vnsel vm10, $0x0, v11;
	v10 =	vmin.u32 v10, $0x1FFF  }
0xda: {  	[tilespmem:$0x4080] =	vst v9;
	v12 =	vnsel vm1, $0x0, v12;
	v11 =	vmin.u32 v11, $0x1FFF;
	v10 =	vor.u32 v0, v10  }
0xdb: {  	v13 =	vnsel vm11, $0x0, v13;
	v12 =	vmin.u32 v12, $0x1FFF;
	v11 =	vor.u32 v1, v11;
	[tilespmem:$0x4100] =	vst v10  }
0xdc: {  	v62 =	vnsel vm12, $0x0, v14;
	v61 =	vmin.u32 v13, $0x1FFF;
	v10 =	vor.u32 v2, v12;
	[tilespmem:$0x4110] =	vst v11  }
0xdd: {  	v63 =	vnsel vm13, $0x0, v15;
	v11 =	vor.u32 v3, v61;
	[tilespmem:$0x4120] =	vst v10;
	v10 =	vmin.u32 v62, $0x1FFF  }
0xde: {  	v12 =	vmin.u32 v63, $0x1FFF;
	[tilespmem:$0x4130] =	vst v11;
	v11 =	vnsel vm14, $0x0, v16;
	v10 =	vor.u32 v4, v10  }
0xdf: {  	v11 =	vmin.u32 v11, $0x1FFF;
	[tilespmem:$0x4140] =	vst v10;
	v10 =	vor.u32 v5, v12  }
0xe0: {  	[tilespmem:$0x4150] =	vst v10;
	v10 =	vor.u32 v6, v11;
	v11 =	vld [tilespmem:$0x70]  }
0xe1: {  	[tilespmem:$0x4090] =	vst v9  }
0xe2: {  	[tilespmem:$0x40A0] =	vst v9  }
0xe3: {  	[tilespmem:$0x40B0] =	vst v9  }
0xe4: {  	[tilespmem:$0x40C0] =	vst v9  }
0xe5: {  	[tilespmem:$0x40D0] =	vst v9;
	vm15 =	vgt.s32 v11, $0x0  }
0xe6: {  	[tilespmem:$0x4160] =	vst v10;
	v10 =	vnsel vm15, $0x0, v11  }
0xe7: {  	[tilespmem:$0x40E0] =	vst v9;
	v10 =	vmin.u32 v10, $0x1FFF  }
0xe8: {  	[tilespmem:$0x40F0] =	vst v9;
	v10 =	vor.u32 v7, v10  }
0xe9: {  	[tilespmem:$0x4170] =	vst v10  }
0xea: {  	_ =	swait.ge [sflag:s14], $0x4000  }
0xeb: {  	[sflag:s14] =	ssyncset.done $0x0  }
0xec: {  	[sflag:s14] =	ssyncadd.s32 $0xFFFFC000  }
0xed: {  	_ =	swait.ge [sflag:s14], $0x4000  }
0xee: {  	[sflag:s14] =	ssyncset.done $0x0  }
0xef: {  	[sflag:s14] =	ssyncadd.s32 $0xFFFFC000  }
0xf0: {  	_ =	swait.ge [sflag:s14], $0x4000  }
0xf1: {  	[sflag:s14] =	ssyncset.done $0x0  }
0xf2: {  	[sflag:s14] =	ssyncadd.s32 $0xFFFFC000  }
0xf3: {  	_ =	swait.ge [sflag:s14], $0x4000  }
0xf4: {  	[sflag:s14] =	ssyncset.done $0x0  }
0xf5: {  	[sflag:s14] =	ssyncadd.s32 $0xFFFFC000  }
0xf6: {  	_ =	swait.ge [sflag:s14], $0x4000  }
0xf7: {  	[sflag:s14] =	ssyncset.done $0x0  }
0xf8: {  	[sflag:s14] =	ssyncadd.s32 $0xFFFFC000  }
0xf9: {  	_ =	swait.ge [sflag:s14], $0x4000  }
0xfa: {  	[sflag:s14] =	ssyncset.done $0x0  }
0xfb: {  	[sflag:s14] =	ssyncadd.s32 $0xFFFFC000  }
0xfc: {  	_ =	swait.ge [sflag:s14], $0x4000  }
0xfd: {  	[sflag:s14] =	ssyncset.done $0x0  }
0xfe: {  	[sflag:s14] =	ssyncadd.s32 $0xFFFFC000  }
0xff: {  	_ =	swait.ge [sflag:s14], $0x4000  }
0x100: {  	[sflag:s14] =	ssyncset.done $0x0  }
0x101: {  	[sflag:s14] =	ssyncadd.s32 $0xFFFFC000  }
0x102: {  	_ =	swait.ge [sflag:s14], $0x4000  }
0x103: {  	[sflag:s14] =	ssyncset.done $0x0  }
0x104: {  	[sflag:s14] =	ssyncadd.s32 $0xFFFFC000  }
0x105: {  	_ =	swait.ge [sflag:s14], $0x4000  }
0x106: {  	[sflag:s14] =	ssyncset.done $0x0  }
0x107: {  	[sflag:s14] =	ssyncadd.s32 $0xFFFFC000  }
0x108: {  	_ =	swait.ge [sflag:s14], $0x4000  }
0x109: {  	[sflag:s14] =	ssyncset.done $0x0  }
0x10a: {  	[sflag:s14] =	ssyncadd.s32 $0xFFFFC000  }
0x10b: {  	_ =	swait.ge [sflag:s14], $0x4000  }
0x10c: {  	[sflag:s14] =	ssyncset.done $0x0  }
0x10d: {  	[sflag:s14] =	ssyncadd.s32 $0xFFFFC000  }
0x10e: {  	_ =	swait.ge [sflag:s14], $0x4000  }
0x10f: {  	[sflag:s14] =	ssyncset.done $0x0  }
0x110: {  	[sflag:s14] =	ssyncadd.s32 $0xFFFFC000  }
0x111: {  	_ =	swait.ge [sflag:s14], $0x4000  }
0x112: {  	[sflag:s14] =	ssyncset.done $0x0  }
0x113: {  	[sflag:s14] =	ssyncadd.s32 $0xFFFFC000  }
0x114: {  	_ =	swait.ge [sflag:s14], $0x4000  }
0x115: {  	[sflag:s14] =	ssyncset.done $0x0  }
0x116: {  	[sflag:s14] =	ssyncadd.s32 $0xFFFFC000  }
0x117: {  	_ =	swait.ge [sflag:s14], $0x4000  }
0x118: {  	[sflag:s14] =	ssyncset.done $0x0  }
0x119: {  	[sflag:s14] =	ssyncadd.s32 $0xFFFFC000  }
0x11a: {  	_ =	swait.ge [sflag:s14], $0x4000  }
0x11b: {  	[sflag:s14] =	ssyncset.done $0x0  }
0x11c: {  	[sflag:s14] =	ssyncadd.s32 $0xFFFFC000  }
0x11d: {  	_ =	swait.ge [sflag:s14], $0x4000  }
0x11e: {  	[sflag:s14] =	ssyncset.done $0x0  }
0x11f: {  	[sflag:s14] =	ssyncadd.s32 $0xFFFFC000  }
0x120: {  	_ =	swait.ge [sflag:s14], $0x4000  }
0x121: {  	[sflag:s14] =	ssyncset.done $0x0  }
0x122: {  	[sflag:s14] =	ssyncadd.s32 $0xFFFFC000  }
0x123: {  	_ =	swait.ge [sflag:s14], $0x4000  }
0x124: {  	[sflag:s14] =	ssyncset.done $0x0  }
0x125: {  	[sflag:s14] =	ssyncadd.s32 $0xFFFFC000  }
0x126: {  	_ =	swait.ge [sflag:s14], $0x4000  }
0x127: {  	[sflag:s14] =	ssyncset.done $0x0  }
0x128: {  	[sflag:s14] =	ssyncadd.s32 $0xFFFFC000  }
0x129: {  	_ =	swait.ge [sflag:s14], $0x4000  }
0x12a: {  	[sflag:s14] =	ssyncset.done $0x0  }
0x12b: {  	[sflag:s14] =	ssyncadd.s32 $0xFFFFC000  }
0x12c: {  	_ =	swait.ge [sflag:s14], $0x4000  }
0x12d: {  	[sflag:s14] =	ssyncset.done $0x0  }
0x12e: {  	[sflag:s14] =	ssyncadd.s32 $0xFFFFC000  }
0x12f: {  	_ =	swait.ge [sflag:s14], $0x4000  }
0x130: {  	[sflag:s14] =	ssyncset.done $0x0  }
0x131: {  	[sflag:s14] =	ssyncadd.s32 $0xFFFFC000  }
0x132: {  	_ =	swait.ge [sflag:s14], $0x4000  }
0x133: {  	[sflag:s14] =	ssyncset.done $0x0  }
0x134: {  	[sflag:s14] =	ssyncadd.s32 $0xFFFFC000  }
0x135: {  	_ =	swait.ge [sflag:s14], $0x4000  }
0x136: {  	[sflag:s14] =	ssyncset.done $0x0  }
0x137: {  	[sflag:s14] =	ssyncadd.s32 $0xFFFFC000  }
0x138: {  	_ =	swait.ge [sflag:s14], $0x4000  }
0x139: {  	[sflag:s14] =	ssyncset.done $0x0  }
0x13a: {  	[sflag:s14] =	ssyncadd.s32 $0xFFFFC000  }
0x13b: {  	_ =	swait.ge [sflag:s14], $0x4000  }
0x13c: {  	[sflag:s14] =	ssyncset.done $0x0  }
0x13d: {  	[sflag:s14] =	ssyncadd.s32 $0xFFFFC000  }
0x13e: {  	_ =	swait.ge [sflag:s14], $0x4000  }
0x13f: {  	[sflag:s14] =	ssyncset.done $0x0  }
0x140: {  	[sflag:s14] =	ssyncadd.s32 $0xFFFFC000  }
0x141: {  	_ =	swait.ge [sflag:s14], $0x4000  }
0x142: {  	[sflag:s14] =	ssyncset.done $0x0  }
0x143: {  	[sflag:s14] =	ssyncadd.s32 $0xFFFFC000  }
0x144: {  	_ =	swait.ge [sflag:s14], $0x4000  }
0x145: {  	[sflag:s14] =	ssyncset.done $0x0  }
0x146: {  	[sflag:s14] =	ssyncadd.s32 $0xFFFFC000  }
0x147: {  	_ =	swait.ge [sflag:s14], $0x4000  }
0x148: {  	[sflag:s14] =	ssyncset.done $0x0  }
0x149: {  	[sflag:s14] =	ssyncadd.s32 $0xFFFFC000  }
0x14a: {  	_ =	swait.ge [sflag:s14], $0x4000  }
0x14b: {  	[sflag:s14] =	ssyncset.done $0x0  }
0x14c: {  	[sflag:s14] =	ssyncadd.s32 $0xFFFFC000  }
0x14d: {  	_ =	swait.ge [sflag:s14], $0x4000  }
0x14e: {  	[sflag:s14] =	ssyncset.done $0x0  }
0x14f: {  	[sflag:s14] =	ssyncadd.s32 $0xFFFFC000  }
0x150: {  	_ =	swait.ge [sflag:s14], $0x4000  }
0x151: {  	[sflag:s14] =	ssyncset.done $0x0  }
0x152: {  	[sflag:s14] =	ssyncadd.s32 $0xFFFFC000  }
0x153: {  	_ =	swait.ge [sflag:s14], $0x4000  }
0x154: {  	[sflag:s14] =	ssyncset.done $0x0  }
0x155: {  	[sflag:s14] =	ssyncadd.s32 $0xFFFFC000  }
0x156: {  	_ =	swait.ge [sflag:s14], $0x4000  }
0x157: {  	[sflag:s14] =	ssyncset.done $0x0  }
0x158: {  	[sflag:s14] =	ssyncadd.s32 $0xFFFFC000  }
0x159: {  	_ =	swait.ge [sflag:s14], $0x4000  }
0x15a: {  	[sflag:s14] =	ssyncset.done $0x0  }
0x15b: {  	[sflag:s14] =	ssyncadd.s32 $0xFFFFC000  }
0x15c: {  	_ =	swait.ge [sflag:s14], $0x4000  }
0x15d: {  	[sflag:s14] =	ssyncset.done $0x0  }
0x15e: {  	[sflag:s14] =	ssyncadd.s32 $0xFFFFC000  }
0x15f: {  	_ =	swait.ge [sflag:s14], $0x4000  }
0x160: {  	[sflag:s14] =	ssyncset.done $0x0  }
0x161: {  	[sflag:s14] =	ssyncadd.s32 $0xFFFFC000  }
0x162: {  	_ =	swait.ge [sflag:s14], $0x4000  }
0x163: {  	[sflag:s14] =	ssyncset.done $0x0  }
0x164: {  	[sflag:s14] =	ssyncadd.s32 $0xFFFFC000  }
0x165: {  	_ =	swait.ge [sflag:s14], $0x4000  }
0x166: {  	[sflag:s14] =	ssyncset.done $0x0  }
0x167: {  	[sflag:s14] =	ssyncadd.s32 $0xFFFFC000  }
0x168: {  	_ =	swait.ge [sflag:s14], $0x4000  }
0x169: {  	[sflag:s14] =	ssyncset.done $0x0  }
0x16a: {  	[sflag:s14] =	ssyncadd.s32 $0xFFFFC000  }
0x16b: {  	_ =	swait.ge [sflag:s14], $0x4000  }
0x16c: {  	[sflag:s14] =	ssyncset.done $0x0  }
0x16d: {  	[sflag:s14] =	ssyncadd.s32 $0xFFFFC000  }
0x16e: {  	_ =	swait.ge [sflag:s14], $0x4000  }
0x16f: {  	[sflag:s14] =	ssyncset.done $0x0  }
0x170: {  	[sflag:s14] =	ssyncadd.s32 $0xFFFFC000  }
0x171: {  	_ =	swait.ge [sflag:s14], $0x4000  }
0x172: {  	[sflag:s14] =	ssyncset.done $0x0  }
0x173: {  	[sflag:s14] =	ssyncadd.s32 $0xFFFFC000  }
0x174: {  	_ =	swait.ge [sflag:s14], $0x4000  }
0x175: {  	[sflag:s14] =	ssyncset.done $0x0  }
0x176: {  	[sflag:s14] =	ssyncadd.s32 $0xFFFFC000  }
0x177: {  	_ =	swait.ge [sflag:s14], $0x4000  }
0x178: {  	[sflag:s14] =	ssyncset.done $0x0  }
0x179: {  	[sflag:s14] =	ssyncadd.s32 $0xFFFFC000  }
0x17a: {  	_ =	swait.ge [sflag:s14], $0x4000  }
0x17b: {  	[sflag:s14] =	ssyncset.done $0x0  }
0x17c: {  	[sflag:s14] =	ssyncadd.s32 $0xFFFFC000  }
0x17d: {  	_ =	swait.ge [sflag:s14], $0x4000  }
0x17e: {  	[sflag:s14] =	ssyncset.done $0x0  }
0x17f: {  	[sflag:s14] =	ssyncadd.s32 $0xFFFFC000  }
0x180: {  	_ =	swait.ge [sflag:s14], $0x4000  }
0x181: {  	[sflag:s14] =	ssyncset.done $0x0  }
0x182: {  	[sflag:s14] =	ssyncadd.s32 $0xFFFFC000  }
0x183: {  	_ =	swait.ge [sflag:s14], $0x4000  }
0x184: {  	[sflag:s14] =	ssyncset.done $0x0  }
0x185: {  	[sflag:s14] =	ssyncadd.s32 $0xFFFFC000  }
0x186: {  	_ =	swait.ge [sflag:s14], $0x4000  }
0x187: {  	[sflag:s14] =	ssyncset.done $0x0  }
0x188: {  	[sflag:s14] =	ssyncadd.s32 $0xFFFFC000  }
0x189: {  	_ =	swait.ge [sflag:s14], $0x4000  }
0x18a: {  	[sflag:s14] =	ssyncset.done $0x0  }
0x18b: {  	[sflag:s14] =	ssyncadd.s32 $0xFFFFC000  }
0x18c: {  	_ =	swait.ge [sflag:s14], $0x4000  }
0x18d: {  	[sflag:s14] =	ssyncset.done $0x0  }
0x18e: {  	[sflag:s14] =	ssyncadd.s32 $0xFFFFC000  }
0x18f: {  	_ =	swait.ge [sflag:s14], $0x4000  }
0x190: {  	[sflag:s14] =	ssyncset.done $0x0  }
0x191: {  	[sflag:s14] =	ssyncadd.s32 $0xFFFFC000  }
0x192: {  	_ =	swait.ge [sflag:s14], $0x4000  }
0x193: {  	[sflag:s14] =	ssyncset.done $0x0  }
0x194: {  	[sflag:s14] =	ssyncadd.s32 $0xFFFFC000  }
0x195: {  	_ =	swait.ge [sflag:s14], $0x4000  }
0x196: {  	[sflag:s14] =	ssyncset.done $0x0  }
0x197: {  	[sflag:s14] =	ssyncadd.s32 $0xFFFFC000  }
0x198: {  	_ =	swait.ge [sflag:s14], $0x4000  }
0x199: {  	[sflag:s14] =	ssyncset.done $0x0  }
0x19a: {  	[sflag:s14] =	ssyncadd.s32 $0xFFFFC000  }
0x19b: {  	_ =	swait.ge [sflag:s14], $0x4000  }
0x19c: {  	[sflag:s14] =	ssyncset.done $0x0  }
0x19d: {  	[sflag:s14] =	ssyncadd.s32 $0xFFFFC000  }
0x19e: {  	_ =	swait.ge [sflag:s14], $0x4000  }
0x19f: {  	[sflag:s14] =	ssyncset.done $0x0  }
0x1a0: {  	[sflag:s14] =	ssyncadd.s32 $0xFFFFC000  }
0x1a1: {  	_ =	swait.ge [sflag:s14], $0x4000  }
0x1a2: {  	[sflag:s14] =	ssyncset.done $0x0  }
0x1a3: {  	[sflag:s14] =	ssyncadd.s32 $0xFFFFC000  }
0x1a4: {  	_ =	swait.ge [sflag:s14], $0x4000  }
0x1a5: {  	[sflag:s14] =	ssyncset.done $0x0  }
0x1a6: {  	[sflag:s14] =	ssyncadd.s32 $0xFFFFC000  }
0x1a7: {  	_ =	swait.ge [sflag:s14], $0x4000  }
0x1a8: {  	[sflag:s14] =	ssyncset.done $0x0  }
0x1a9: {  	s18 =	simm.s32 $0x4100;
	s17 =	rddreg [dreg:$0x3];
	[sflag:s14] =	ssyncadd.s32 $0xFFFFC000  }
0x1aa: {  	[hbm4b:s17+s13] =	stream.indirect.scatter [tilespmem:s19], [sflag:$0x2], $0x1, s18, s13, $0xb8;
	[tilespmem:$0x4180] =	vst v63  }
0x1ab: {  	_ =	swait.ge [sflag:s15], $0x80  }
0x1ac: {  	s16 =	sadd.s32 $0x1, s16;
	s18 =	rddreg [dreg:$0x17]  }
0x1ad: {  	p0 =	sne.s32 s16, s18  }
.Ltmp1:
0x1ae: {  	_ = 	snop;
	(pc) =	sbr.rel @p0 .LBB2_1-.Ltmp1, $3  }
0x1af: {  	_ =	sdelay $0x1  }
0x1b0: {  	[sflag:s15] =	ssyncset.done $0x0  }
0x1b1: {  	[sflag:s15] =	ssyncadd.s32 $0xFFFFFF80  }
0x1b2: {  	_ =	sfence.sel $0x180000  }
0x1b3: {  	[bflag:$0x0] =	sbarrier.arrive $0xFFFF  }
0x1b4: {  	_ =	strace $0x90000047  }
0x1b5: {  	s0 =	stileid.u32;
	[bflag:$0x2] =	sbarrier.arrive $0xFFFF  }
0x1b6: {  	p0 =	sne.s32 s0, $0x0;
	s0 =	rddreg [dreg:$0x2]  }
0x1b7: {  	s0 =	sadd.s32 @!p0 $0x100000, s0  }
0x1b8: {  	[sflag:s0] =	ssyncadd.tile.s32 @!p0 $0x1;
	_ =	shalt  }
.Lfunc_end2:
_tile_overlayer_lowered:
.L_overlay_start_2:
0x1b9: {  	(tag) =	ssettag $0x2  }
0x1ba: {  	s0 =	rddreg [dreg:$0x0];
	s2 =	stileid.u32  }
0x1bb: {  	s1 =	rddreg [dreg:$0x1];
	p0 =	sne.s32 s2, $0x0  }
0x1bc: {  	s3 =	rddreg [dreg:$0x2];
	[bflag:$0x3] =	sbarrier.arrive $0xFFFF;
	s2 =	simm.s32 @!p0 $0x1C03  }
0x1bd: {  	[timem:s3], [sflag:s2] =	dma.local @!p0 [hbm:s0], s1  }
0x1be: {  	s0 =	simm.s32 @!p0 $0x3  }
0x1bf: {  	_ =	swait.ge @!p0 [sflag:s0], s1  }
0x1c0: {  	s1 =	ssub.s32 @!p0 $0x0, s1;
	[sflag:s0] =	ssyncset.done @!p0 $0x0  }
0x1c1: {  	[sflag:s0] =	ssyncadd.s32 @!p0 s1  }
0x1c2: {  	[bflag:$0x3] =	sbarrier.arrive $0xFFFF  }
0x1c3: {  	_ =	shalt  }

</sc_bundles>
